<compile_context>
chip_gen: v7x
topology: tpu7x:2x2x1
jax: 0.10.2.dev20260603
libtpu: 0.0.44.dev20260713+nightly
codegen_flags: <defaults>
</compile_context>

<pallas_src>
import functools

import jax
import jax.numpy as jnp
from jax import lax
from jax.experimental import pallas as pl
from jax.experimental.pallas import tpu as pltpu
from jax.experimental.pallas import tpu_sc as plsc

_V = 100000
_S = 200
_B = 1024
_LANES = 16
_SPAD = 208
_NCH = _SPAD // _LANES
_NVALID = _S - (_NCH - 1) * _LANES
_NW = 32
_PPW = _B // _NW
_IDS_PER_W = _PPW * _SPAD
_NGRP = 4
_PPG = _PPW // _NGRP
_IDS_PER_G = _PPG * _SPAD


def _body(ids_hbm, w_hbm, bias_hbm, out_hbm,
          ids_v, vals_v, scratch_v, outbuf_v, bias_v,
          wshared, sem0, sem1, sem2, sem3):
    sems = (sem0, sem1, sem2, sem3)
    sid = lax.axis_index("s")
    wid = sid * 2 + lax.axis_index("c")
    base = wid * _IDS_PER_W

    @pl.when(sid == 0)
    def _stage_w():
        pltpu.sync_copy(w_hbm, wshared)

    pltpu.sync_copy(ids_hbm.at[pl.ds(base, _IDS_PER_W)], ids_v)
    pltpu.sync_copy(bias_hbm, bias_v)
    plsc.subcore_barrier()
    gathers = [
        pltpu.async_copy(
            wshared.at[ids_v.at[pl.ds(g * _IDS_PER_G, _IDS_PER_G)]],
            vals_v.at[pl.ds(g * _IDS_PER_G, _IDS_PER_G)], sems[g])
        for g in range(_NGRP)
    ]
    lane = lax.iota(jnp.int32, _LANES)
    valid_last = lane < _NVALID
    bvec = bias_v[...]

    def phrase(p, carry):
        pbase = p * _SPAD
        ids = []
        for k in range(_NCH):
            ids16 = ids_v[pl.ds(pbase + k * _LANES, _LANES)]
            ids.append(ids16)
            tags16 = lane + (pbase + k * _LANES)
            if k == _NCH - 1:
                plsc.store_scatter(scratch_v, [ids16], tags16,
                                   mask=valid_last)
            else:
                plsc.store_scatter(scratch_v, [ids16], tags16)
        acc = jnp.zeros((_LANES,), jnp.float32)
        for k in range(_NCH):
            tags16 = lane + (pbase + k * _LANES)
            r16 = plsc.load_gather(scratch_v, [ids[k]])
            v16 = vals_v[pl.ds(pbase + k * _LANES, _LANES)]
            m16 = r16 == tags16
            if k == _NCH - 1:
                m16 = m16 & valid_last
            acc = acc + jnp.where(m16, v16, 0.0)
        tot = jnp.sum(acc)
        out16 = jnp.full((_LANES,), tot, jnp.float32) + bvec
        plsc.store_scatter(outbuf_v, [jnp.full((_LANES,), p, jnp.int32)],
                           out16, mask=lane == 0)
        return carry

    for g in range(_NGRP):
        gathers[g].wait()
        lax.fori_loop(g * _PPG, (g + 1) * _PPG, phrase, 0)
    pltpu.sync_copy(outbuf_v, out_hbm.at[pl.ds(wid * _PPW, _PPW)])


_mnb_sc = functools.partial(
    pl.kernel,
    out_type=jax.ShapeDtypeStruct((_B,), jnp.float32),
    mesh=plsc.VectorSubcoreMesh(core_axis_name="c", subcore_axis_name="s"),
    compiler_params=pltpu.CompilerParams(needs_layout_passes=False),
    scratch_types=[
        pltpu.VMEM((_IDS_PER_W,), jnp.int32),
        pltpu.VMEM((_IDS_PER_W,), jnp.float32),
        pltpu.VMEM((_V,), jnp.int32),
        pltpu.VMEM((_PPW,), jnp.float32),
        pltpu.VMEM((_LANES,), jnp.float32),
        pltpu.VMEM_SHARED((_V,), jnp.float32),
        pltpu.SemaphoreType.DMA,
        pltpu.SemaphoreType.DMA,
        pltpu.SemaphoreType.DMA,
        pltpu.SemaphoreType.DMA,
    ],
)(_body)


@jax.jit
def kernel(text, W, b):
    ids = text.astype(jnp.int32).T
    pad = jnp.zeros((_B, _SPAD - _S), jnp.int32)
    ids_flat = jnp.concatenate([ids, pad], axis=1).reshape(_B * _SPAD)
    bias16 = jnp.broadcast_to(b.astype(jnp.float32), (_LANES,))
    out = _mnb_sc(ids_flat, W.reshape(_V), bias16)
    return out.reshape(_B, 1)

# --- scband reference (transcript-rebuilt; emitter-appended) ---
"""Pipeline reference for scband-mnb-8151847928093 (READ-ONLY COPY).

The authoritative reference and input builder live on the scoring server;
editing this copy changes nothing except your own understanding.
"""

import jax, jax.numpy as jnp
import numpy as np

V = 100000
S = 200
B = 1024

def setup_inputs(seed: int = 0) -> dict:
    key = jax.random.key(seed)
    k1, k2, k3 = jax.random.split(key, 3)
    text = jax.random.randint(k1, (S, B), 0, V, dtype=jnp.int64) if jax.config.jax_enable_x64 else jax.random.randint(k1, (S, B), 0, V, dtype=jnp.int32)
    W = jax.random.normal(k2, (1, V), dtype=jnp.float32) * 0.02
    b = jax.random.normal(k3, (1,), dtype=jnp.float32) * 0.02
    return {"text": text, "W": W, "b": b}

def reference(text, W, b):
    # Faithful translation of MNB.forward:
    # for each phrase (column of text), build a binary bag-of-words presence
    # vector over vocabulary V (Counter keys each add exactly +1 -> presence),
    # then apply the linear layer w: [V] -> 1.
    S_, B_ = text.shape
    V_ = W.shape[1]
    rows = jnp.repeat(jnp.arange(B_), S_)          # phrase index per token
    cols = text.T.reshape(-1)                      # word id per token
    word_vecs = jnp.zeros((B_, V_), dtype=jnp.float32).at[rows, cols].set(1.0)
    out = word_vecs @ W.T + b                      # [B, 1]
    return out

if __name__ == "__main__":
    import jax
    _d = setup_inputs()
    print(jax.jit(kernel)(*tuple(_d.values())))

</pallas_src>

<mosaic_0001>
#map = affine_map<(d0, d1) -> (0)>
module attributes {stable_mosaic.version = 14 : i64} {
  func.func @_body(%arg0: i32, %arg1: i32, %arg2: memref<212992xi32, #tpu.memory_space<hbm>>, %arg3: memref<100000xf32, #tpu.memory_space<hbm>>, %arg4: memref<16xf32, #tpu.memory_space<hbm>>, %arg5: memref<1024xf32, #tpu.memory_space<hbm>>, %arg6: memref<6656xi32, #tpu.memory_space<vmem>>, %arg7: memref<6656xf32, #tpu.memory_space<vmem>>, %arg8: memref<100000xi32, #tpu.memory_space<vmem>>, %arg9: memref<32xf32, #tpu.memory_space<vmem>>, %arg10: memref<16xf32, #tpu.memory_space<vmem>>, %arg11: memref<100000xf32, #tpu.memory_space<vmem_shared>>, %arg12: memref<!tpu.dma_semaphore, #tpu.memory_space<semaphore_mem>>, %arg13: memref<!tpu.dma_semaphore, #tpu.memory_space<semaphore_mem>>, %arg14: memref<!tpu.dma_semaphore, #tpu.memory_space<semaphore_mem>>, %arg15: memref<!tpu.dma_semaphore, #tpu.memory_space<semaphore_mem>>) attributes {dimension_semantics = [#tpu.dimension_semantics<core_parallel>, #tpu.dimension_semantics<subcore_parallel>], iteration_bounds = array<i64: 2, 16>, scalar_prefetch = 0 : i64, scratch_operands = 10 : i64, tpu.core_type = #tpu.core_type<sc_vector_subcore>, window_params = [{transform_indices = #map}, {transform_indices = #map}, {transform_indices = #map}, {transform_indices = #map}]} {
    %mul3A = arith.constant 2 : i32
    %mul3A_0 = arith.muli %arg1, %mul3A : i32
    %add3A = arith.addi %mul3A_0, %arg0 : i32
    %mul3A_1 = arith.constant 6656 : i32
    %mul3A_2 = arith.muli %add3A, %mul3A_1 : i32
    %eq3A = arith.constant 0 : i32
    %eq3A_3 = arith.cmpi eq, %arg1, %eq3A : i32
    %convert_element_type3A = arith.extui %eq3A_3 : i1 to i32
    %cond3A = arith.constant 0 : i32
    %cond3A_4 = arith.cmpi ne, %convert_element_type3A, %cond3A : i32
    scf.if %cond3A_4 {
      "tpu.region"() ({
        %run_scoped3A = tpu.sem_alloc : memref<!tpu.dma_semaphore, #tpu.memory_space<semaphore_mem>>
        tpu.enqueue_dma source(%arg3 : memref<100000xf32, #tpu.memory_space<hbm>>) target(%arg11 : memref<100000xf32, #tpu.memory_space<vmem_shared>>) target_semaphore(%run_scoped3A : memref<!tpu.dma_semaphore, #tpu.memory_space<semaphore_mem>>)
        tpu.wait_dma2 semaphore(%run_scoped3A : memref<!tpu.dma_semaphore, #tpu.memory_space<semaphore_mem>>) src(%arg3 : memref<100000xf32, #tpu.memory_space<hbm>>) dst(%arg11 : memref<100000xf32, #tpu.memory_space<vmem_shared>>)
        tpu.yield
      }) : () -> ()
    } else {
    }
    "tpu.region"() ({
      %run_scoped3A = tpu.sem_alloc : memref<!tpu.dma_semaphore, #tpu.memory_space<semaphore_mem>>
      %dma_start3A_79 = tpu.memref_slice %arg2[%mul3A_2] : memref<212992xi32, #tpu.memory_space<hbm>> -> memref<6656xi32, #tpu.memory_space<hbm>>
      %dma_start3A_80 = tpu.memref_slice %arg2[%mul3A_2] : memref<212992xi32, #tpu.memory_space<hbm>> -> memref<6656xi32, #tpu.memory_space<hbm>>
      tpu.enqueue_dma source(%dma_start3A_80 : memref<6656xi32, #tpu.memory_space<hbm>>) target(%arg6 : memref<6656xi32, #tpu.memory_space<vmem>>) target_semaphore(%run_scoped3A : memref<!tpu.dma_semaphore, #tpu.memory_space<semaphore_mem>>)
      %dma_wait3A_81 = tpu.memref_slice %arg2[%mul3A_2] : memref<212992xi32, #tpu.memory_space<hbm>> -> memref<6656xi32, #tpu.memory_space<hbm>>
      %dma_wait3A_82 = tpu.memref_slice %arg2[%mul3A_2] : memref<212992xi32, #tpu.memory_space<hbm>> -> memref<6656xi32, #tpu.memory_space<hbm>>
      tpu.wait_dma2 semaphore(%run_scoped3A : memref<!tpu.dma_semaphore, #tpu.memory_space<semaphore_mem>>) src(%dma_wait3A_82 : memref<6656xi32, #tpu.memory_space<hbm>>) dst(%arg6 : memref<6656xi32, #tpu.memory_space<vmem>>)
      tpu.yield
    }) : () -> ()
    "tpu.region"() ({
      %run_scoped3A = tpu.sem_alloc : memref<!tpu.dma_semaphore, #tpu.memory_space<semaphore_mem>>
      tpu.enqueue_dma source(%arg4 : memref<16xf32, #tpu.memory_space<hbm>>) target(%arg10 : memref<16xf32, #tpu.memory_space<vmem>>) target_semaphore(%run_scoped3A : memref<!tpu.dma_semaphore, #tpu.memory_space<semaphore_mem>>)
      tpu.wait_dma2 semaphore(%run_scoped3A : memref<!tpu.dma_semaphore, #tpu.memory_space<semaphore_mem>>) src(%arg4 : memref<16xf32, #tpu.memory_space<hbm>>) dst(%arg10 : memref<16xf32, #tpu.memory_space<vmem>>)
      tpu.yield
    }) : () -> ()
    %barrier3A = arith.constant 0 : index
    tpu.barrier barrier_id(%barrier3A)
    %dma_start3A = arith.constant 0 : i32
    %dma_start3A_5 = tpu.memref_slice %arg7[%dma_start3A] : memref<6656xf32, #tpu.memory_space<vmem>> -> memref<1664xf32, #tpu.memory_space<vmem>>
    %dma_start3A_6 = arith.constant 0 : i32
    %dma_start3A_7 = tpu.memref_slice %arg6[%dma_start3A_6] : memref<6656xi32, #tpu.memory_space<vmem>> -> memref<1664xi32, #tpu.memory_space<vmem>>
    %dma_start3A_8 = arith.constant 0 : i32
    %dma_start3A_9 = tpu.memref_slice %arg11[%dma_start3A_8] : memref<100000xf32, #tpu.memory_space<vmem_shared>> -> memref<100000xf32, #tpu.memory_space<vmem_shared>>
    tpu.enqueue_indirect_dma source(%dma_start3A_9 : memref<100000xf32, #tpu.memory_space<vmem_shared>>) target(%dma_start3A_5 : memref<1664xf32, #tpu.memory_space<vmem>>) offsets(%dma_start3A_7 : memref<1664xi32, #tpu.memory_space<vmem>>) semaphore(%arg12 : memref<!tpu.dma_semaphore, #tpu.memory_space<semaphore_mem>>)
    %dma_start3A_10 = arith.constant 1664 : i32
    %dma_start3A_11 = tpu.memref_slice %arg7[%dma_start3A_10] : memref<6656xf32, #tpu.memory_space<vmem>> -> memref<1664xf32, #tpu.memory_space<vmem>>
    %dma_start3A_12 = arith.constant 1664 : i32
    %dma_start3A_13 = tpu.memref_slice %arg6[%dma_start3A_12] : memref<6656xi32, #tpu.memory_space<vmem>> -> memref<1664xi32, #tpu.memory_space<vmem>>
    %dma_start3A_14 = arith.constant 0 : i32
    %dma_start3A_15 = tpu.memref_slice %arg11[%dma_start3A_14] : memref<100000xf32, #tpu.memory_space<vmem_shared>> -> memref<100000xf32, #tpu.memory_space<vmem_shared>>
    tpu.enqueue_indirect_dma source(%dma_start3A_15 : memref<100000xf32, #tpu.memory_space<vmem_shared>>) target(%dma_start3A_11 : memref<1664xf32, #tpu.memory_space<vmem>>) offsets(%dma_start3A_13 : memref<1664xi32, #tpu.memory_space<vmem>>) semaphore(%arg13 : memref<!tpu.dma_semaphore, #tpu.memory_space<semaphore_mem>>)
    %dma_start3A_16 = arith.constant 3328 : i32
    %dma_start3A_17 = tpu.memref_slice %arg7[%dma_start3A_16] : memref<6656xf32, #tpu.memory_space<vmem>> -> memref<1664xf32, #tpu.memory_space<vmem>>
    %dma_start3A_18 = arith.constant 3328 : i32
    %dma_start3A_19 = tpu.memref_slice %arg6[%dma_start3A_18] : memref<6656xi32, #tpu.memory_space<vmem>> -> memref<1664xi32, #tpu.memory_space<vmem>>
    %dma_start3A_20 = arith.constant 0 : i32
    %dma_start3A_21 = tpu.memref_slice %arg11[%dma_start3A_20] : memref<100000xf32, #tpu.memory_space<vmem_shared>> -> memref<100000xf32, #tpu.memory_space<vmem_shared>>
    tpu.enqueue_indirect_dma source(%dma_start3A_21 : memref<100000xf32, #tpu.memory_space<vmem_shared>>) target(%dma_start3A_17 : memref<1664xf32, #tpu.memory_space<vmem>>) offsets(%dma_start3A_19 : memref<1664xi32, #tpu.memory_space<vmem>>) semaphore(%arg14 : memref<!tpu.dma_semaphore, #tpu.memory_space<semaphore_mem>>)
    %dma_start3A_22 = arith.constant 4992 : i32
    %dma_start3A_23 = tpu.memref_slice %arg7[%dma_start3A_22] : memref<6656xf32, #tpu.memory_space<vmem>> -> memref<1664xf32, #tpu.memory_space<vmem>>
    %dma_start3A_24 = arith.constant 4992 : i32
    %dma_start3A_25 = tpu.memref_slice %arg6[%dma_start3A_24] : memref<6656xi32, #tpu.memory_space<vmem>> -> memref<1664xi32, #tpu.memory_space<vmem>>
    %dma_start3A_26 = arith.constant 0 : i32
    %dma_start3A_27 = tpu.memref_slice %arg11[%dma_start3A_26] : memref<100000xf32, #tpu.memory_space<vmem_shared>> -> memref<100000xf32, #tpu.memory_space<vmem_shared>>
    tpu.enqueue_indirect_dma source(%dma_start3A_27 : memref<100000xf32, #tpu.memory_space<vmem_shared>>) target(%dma_start3A_23 : memref<1664xf32, #tpu.memory_space<vmem>>) offsets(%dma_start3A_25 : memref<1664xi32, #tpu.memory_space<vmem>>) semaphore(%arg15 : memref<!tpu.dma_semaphore, #tpu.memory_space<semaphore_mem>>)
    %iota3A = tpu.iota {dimensions = array<i32: 0>} : vector<16xi32>
    %lt3A = arith.constant 8 : i32
    %lt3A_28 = vector.broadcast %lt3A : i32 to vector<16xi32>
    %lt3A_29 = arith.cmpi slt, %iota3A, %lt3A_28 : vector<16xi32>
    %get3A = arith.constant 0 : index
    %get3A_30 = tpu.vector_load %arg10[%get3A] {strides = array<i32>} : memref<16xf32, #tpu.memory_space<vmem>>, vector<16xf32>,
    %dma_wait3A = arith.constant 0 : i32
    %dma_wait3A_31 = tpu.memref_slice %arg7[%dma_wait3A] : memref<6656xf32, #tpu.memory_space<vmem>> -> memref<1664xf32, #tpu.memory_space<vmem>>
    %dma_wait3A_32 = arith.constant 0 : i32
    %dma_wait3A_33 = tpu.memref_slice %arg6[%dma_wait3A_32] : memref<6656xi32, #tpu.memory_space<vmem>> -> memref<1664xi32, #tpu.memory_space<vmem>>
    %dma_wait3A_34 = arith.constant 0 : i32
    %dma_wait3A_35 = tpu.memref_slice %arg11[%dma_wait3A_34] : memref<100000xf32, #tpu.memory_space<vmem_shared>> -> memref<100000xf32, #tpu.memory_space<vmem_shared>>
    tpu.wait_indirect_dma semaphore(%arg12 : memref<!tpu.dma_semaphore, #tpu.memory_space<semaphore_mem>>) src(%dma_wait3A_35 : memref<100000xf32, #tpu.memory_space<vmem_shared>>) dst(%dma_wait3A_31 : memref<1664xf32, #tpu.memory_space<vmem>>)
    %scan3A = arith.constant 0 : i32
    %scan3A_36 = arith.constant 0 : i32
    %scan3A_37 = arith.constant 8 : i32
    %scan3A_38 = arith.addi %scan3A_36, %scan3A_37 : i32
    %scan3A_39 = arith.constant 1 : i32
    scf.for %scan3A_79 = %scan3A_36 to %scan3A_38 step %scan3A_39  : i32 {
      %mul3A_80 = arith.constant 208 : i32
      %mul3A_81 = arith.muli %scan3A_79, %mul3A_80 : i32
      %add3A_82 = arith.constant 0 : i32
      %add3A_83 = arith.addi %mul3A_81, %add3A_82 : i32
      %get3A_84 = arith.index_cast %add3A_83 : i32 to index
      %get3A_85 = tpu.vector_load %arg6[%get3A_84] {strides = array<i32>} : memref<6656xi32, #tpu.memory_space<vmem>>, vector<16xi32>,
      %add3A_86 = arith.constant 0 : i32
      %add3A_87 = arith.addi %mul3A_81, %add3A_86 : i32
      %add3A_88 = vector.broadcast %add3A_87 : i32 to vector<16xi32>
      %add3A_89 = arith.addi %iota3A, %add3A_88 : vector<16xi32>
      tpu.vector_store_idx %arg8[%get3A_85], %add3A_89 : memref<100000xi32, #tpu.memory_space<vmem>>[vector<16xi32>], vector<16xi32>,
      %add3A_90 = arith.constant 16 : i32
      %add3A_91 = arith.addi %mul3A_81, %add3A_90 : i32
      %get3A_92 = arith.index_cast %add3A_91 : i32 to index
      %get3A_93 = tpu.vector_load %arg6[%get3A_92] {strides = array<i32>} : memref<6656xi32, #tpu.memory_space<vmem>>, vector<16xi32>,
      %add3A_94 = arith.constant 16 : i32
      %add3A_95 = arith.addi %mul3A_81, %add3A_94 : i32
      %add3A_96 = vector.broadcast %add3A_95 : i32 to vector<16xi32>
      %add3A_97 = arith.addi %iota3A, %add3A_96 : vector<16xi32>
      tpu.vector_store_idx %arg8[%get3A_93], %add3A_97 : memref<100000xi32, #tpu.memory_space<vmem>>[vector<16xi32>], vector<16xi32>,
      %add3A_98 = arith.constant 32 : i32
      %add3A_99 = arith.addi %mul3A_81, %add3A_98 : i32
      %get3A_100 = arith.index_cast %add3A_99 : i32 to index
      %get3A_101 = tpu.vector_load %arg6[%get3A_100] {strides = array<i32>} : memref<6656xi32, #tpu.memory_space<vmem>>, vector<16xi32>,
      %add3A_102 = arith.constant 32 : i32
      %add3A_103 = arith.addi %mul3A_81, %add3A_102 : i32
      %add3A_104 = vector.broadcast %add3A_103 : i32 to vector<16xi32>
      %add3A_105 = arith.addi %iota3A, %add3A_104 : vector<16xi32>
      tpu.vector_store_idx %arg8[%get3A_101], %add3A_105 : memref<100000xi32, #tpu.memory_space<vmem>>[vector<16xi32>], vector<16xi32>,
      %add3A_106 = arith.constant 48 : i32
      %add3A_107 = arith.addi %mul3A_81, %add3A_106 : i32
      %get3A_108 = arith.index_cast %add3A_107 : i32 to index
      %get3A_109 = tpu.vector_load %arg6[%get3A_108] {strides = array<i32>} : memref<6656xi32, #tpu.memory_space<vmem>>, vector<16xi32>,
      %add3A_110 = arith.constant 48 : i32
      %add3A_111 = arith.addi %mul3A_81, %add3A_110 : i32
      %add3A_112 = vector.broadcast %add3A_111 : i32 to vector<16xi32>
      %add3A_113 = arith.addi %iota3A, %add3A_112 : vector<16xi32>
      tpu.vector_store_idx %arg8[%get3A_109], %add3A_113 : memref<100000xi32, #tpu.memory_space<vmem>>[vector<16xi32>], vector<16xi32>,
      %add3A_114 = arith.constant 64 : i32
      %add3A_115 = arith.addi %mul3A_81, %add3A_114 : i32
      %get3A_116 = arith.index_cast %add3A_115 : i32 to index
      %get3A_117 = tpu.vector_load %arg6[%get3A_116] {strides = array<i32>} : memref<6656xi32, #tpu.memory_space<vmem>>, vector<16xi32>,
      %add3A_118 = arith.constant 64 : i32
      %add3A_119 = arith.addi %mul3A_81, %add3A_118 : i32
      %add3A_120 = vector.broadcast %add3A_119 : i32 to vector<16xi32>
      %add3A_121 = arith.addi %iota3A, %add3A_120 : vector<16xi32>
      tpu.vector_store_idx %arg8[%get3A_117], %add3A_121 : memref<100000xi32, #tpu.memory_space<vmem>>[vector<16xi32>], vector<16xi32>,
      %add3A_122 = arith.constant 80 : i32
      %add3A_123 = arith.addi %mul3A_81, %add3A_122 : i32
      %get3A_124 = arith.index_cast %add3A_123 : i32 to index
      %get3A_125 = tpu.vector_load %arg6[%get3A_124] {strides = array<i32>} : memref<6656xi32, #tpu.memory_space<vmem>>, vector<16xi32>,
      %add3A_126 = arith.constant 80 : i32
      %add3A_127 = arith.addi %mul3A_81, %add3A_126 : i32
      %add3A_128 = vector.broadcast %add3A_127 : i32 to vector<16xi32>
      %add3A_129 = arith.addi %iota3A, %add3A_128 : vector<16xi32>
      tpu.vector_store_idx %arg8[%get3A_125], %add3A_129 : memref<100000xi32, #tpu.memory_space<vmem>>[vector<16xi32>], vector<16xi32>,
      %add3A_130 = arith.constant 96 : i32
      %add3A_131 = arith.addi %mul3A_81, %add3A_130 : i32
      %get3A_132 = arith.index_cast %add3A_131 : i32 to index
      %get3A_133 = tpu.vector_load %arg6[%get3A_132] {strides = array<i32>} : memref<6656xi32, #tpu.memory_space<vmem>>, vector<16xi32>,
      %add3A_134 = arith.constant 96 : i32
      %add3A_135 = arith.addi %mul3A_81, %add3A_134 : i32
      %add3A_136 = vector.broadcast %add3A_135 : i32 to vector<16xi32>
      %add3A_137 = arith.addi %iota3A, %add3A_136 : vector<16xi32>
      tpu.vector_store_idx %arg8[%get3A_133], %add3A_137 : memref<100000xi32, #tpu.memory_space<vmem>>[vector<16xi32>], vector<16xi32>,
      %add3A_138 = arith.constant 112 : i32
      %add3A_139 = arith.addi %mul3A_81, %add3A_138 : i32
      %get3A_140 = arith.index_cast %add3A_139 : i32 to index
      %get3A_141 = tpu.vector_load %arg6[%get3A_140] {strides = array<i32>} : memref<6656xi32, #tpu.memory_space<vmem>>, vector<16xi32>,
      %add3A_142 = arith.constant 112 : i32
      %add3A_143 = arith.addi %mul3A_81, %add3A_142 : i32
      %add3A_144 = vector.broadcast %add3A_143 : i32 to vector<16xi32>
      %add3A_145 = arith.addi %iota3A, %add3A_144 : vector<16xi32>
      tpu.vector_store_idx %arg8[%get3A_141], %add3A_145 : memref<100000xi32, #tpu.memory_space<vmem>>[vector<16xi32>], vector<16xi32>,
      %add3A_146 = arith.constant 128 : i32
      %add3A_147 = arith.addi %mul3A_81, %add3A_146 : i32
      %get3A_148 = arith.index_cast %add3A_147 : i32 to index
      %get3A_149 = tpu.vector_load %arg6[%get3A_148] {strides = array<i32>} : memref<6656xi32, #tpu.memory_space<vmem>>, vector<16xi32>,
      %add3A_150 = arith.constant 128 : i32
      %add3A_151 = arith.addi %mul3A_81, %add3A_150 : i32
      %add3A_152 = vector.broadcast %add3A_151 : i32 to vector<16xi32>
      %add3A_153 = arith.addi %iota3A, %add3A_152 : vector<16xi32>
      tpu.vector_store_idx %arg8[%get3A_149], %add3A_153 : memref<100000xi32, #tpu.memory_space<vmem>>[vector<16xi32>], vector<16xi32>,
      %add3A_154 = arith.constant 144 : i32
      %add3A_155 = arith.addi %mul3A_81, %add3A_154 : i32
      %get3A_156 = arith.index_cast %add3A_155 : i32 to index
      %get3A_157 = tpu.vector_load %arg6[%get3A_156] {strides = array<i32>} : memref<6656xi32, #tpu.memory_space<vmem>>, vector<16xi32>,
      %add3A_158 = arith.constant 144 : i32
      %add3A_159 = arith.addi %mul3A_81, %add3A_158 : i32
      %add3A_160 = vector.broadcast %add3A_159 : i32 to vector<16xi32>
      %add3A_161 = arith.addi %iota3A, %add3A_160 : vector<16xi32>
      tpu.vector_store_idx %arg8[%get3A_157], %add3A_161 : memref<100000xi32, #tpu.memory_space<vmem>>[vector<16xi32>], vector<16xi32>,
      %add3A_162 = arith.constant 160 : i32
      %add3A_163 = arith.addi %mul3A_81, %add3A_162 : i32
      %get3A_164 = arith.index_cast %add3A_163 : i32 to index
      %get3A_165 = tpu.vector_load %arg6[%get3A_164] {strides = array<i32>} : memref<6656xi32, #tpu.memory_space<vmem>>, vector<16xi32>,
      %add3A_166 = arith.constant 160 : i32
      %add3A_167 = arith.addi %mul3A_81, %add3A_166 : i32
      %add3A_168 = vector.broadcast %add3A_167 : i32 to vector<16xi32>
      %add3A_169 = arith.addi %iota3A, %add3A_168 : vector<16xi32>
      tpu.vector_store_idx %arg8[%get3A_165], %add3A_169 : memref<100000xi32, #tpu.memory_space<vmem>>[vector<16xi32>], vector<16xi32>,
      %add3A_170 = arith.constant 176 : i32
      %add3A_171 = arith.addi %mul3A_81, %add3A_170 : i32
      %get3A_172 = arith.index_cast %add3A_171 : i32 to index
      %get3A_173 = tpu.vector_load %arg6[%get3A_172] {strides = array<i32>} : memref<6656xi32, #tpu.memory_space<vmem>>, vector<16xi32>,
      %add3A_174 = arith.constant 176 : i32
      %add3A_175 = arith.addi %mul3A_81, %add3A_174 : i32
      %add3A_176 = vector.broadcast %add3A_175 : i32 to vector<16xi32>
      %add3A_177 = arith.addi %iota3A, %add3A_176 : vector<16xi32>
      tpu.vector_store_idx %arg8[%get3A_173], %add3A_177 : memref<100000xi32, #tpu.memory_space<vmem>>[vector<16xi32>], vector<16xi32>,
      %add3A_178 = arith.constant 192 : i32
      %add3A_179 = arith.addi %mul3A_81, %add3A_178 : i32
      %get3A_180 = arith.index_cast %add3A_179 : i32 to index
      %get3A_181 = tpu.vector_load %arg6[%get3A_180] {strides = array<i32>} : memref<6656xi32, #tpu.memory_space<vmem>>, vector<16xi32>,
      %add3A_182 = arith.constant 192 : i32
      %add3A_183 = arith.addi %mul3A_81, %add3A_182 : i32
      %add3A_184 = vector.broadcast %add3A_183 : i32 to vector<16xi32>
      %add3A_185 = arith.addi %iota3A, %add3A_184 : vector<16xi32>
      tpu.vector_store_idx %arg8[%get3A_181], %add3A_185 masked %lt3A_29 : memref<100000xi32, #tpu.memory_space<vmem>>[vector<16xi32>], vector<16xi32>, vector<16xi1>
      %broadcast_in_dim3A = arith.constant 0.000000e+00 : f32
      %broadcast_in_dim3A_186 = vector.broadcast %broadcast_in_dim3A : f32 to vector<16xf32>
      %add3A_187 = arith.constant 0 : i32
      %add3A_188 = arith.addi %mul3A_81, %add3A_187 : i32
      %add3A_189 = vector.broadcast %add3A_188 : i32 to vector<16xi32>
      %add3A_190 = arith.addi %iota3A, %add3A_189 : vector<16xi32>
      %gather3A = tpu.vector_load_idx %arg8[%get3A_85] : memref<100000xi32, #tpu.memory_space<vmem>>[vector<16xi32>], vector<16xi32>,
      %add3A_191 = arith.constant 0 : i32
      %add3A_192 = arith.addi %mul3A_81, %add3A_191 : i32
      %get3A_193 = arith.index_cast %add3A_192 : i32 to index
      %get3A_194 = tpu.vector_load %arg7[%get3A_193] {strides = array<i32>} : memref<6656xf32, #tpu.memory_space<vmem>>, vector<16xf32>,
      %eq3A_195 = arith.cmpi eq, %gather3A, %add3A_190 : vector<16xi32>
      %jit3A = arith.constant 0.000000e+00 : f32
      %broadcast_in_dim3A_196 = vector.broadcast %jit3A : f32 to vector<16xf32>
      %select_n3A = arith.select %eq3A_195, %get3A_194, %broadcast_in_dim3A_196 : vector<16xi1>, vector<16xf32>
      %add3A_197 = arith.addf %broadcast_in_dim3A_186, %select_n3A : vector<16xf32>
      %add3A_198 = arith.constant 16 : i32
      %add3A_199 = arith.addi %mul3A_81, %add3A_198 : i32
      %add3A_200 = vector.broadcast %add3A_199 : i32 to vector<16xi32>
      %add3A_201 = arith.addi %iota3A, %add3A_200 : vector<16xi32>
      %gather3A_202 = tpu.vector_load_idx %arg8[%get3A_93] : memref<100000xi32, #tpu.memory_space<vmem>>[vector<16xi32>], vector<16xi32>,
      %add3A_203 = arith.constant 16 : i32
      %add3A_204 = arith.addi %mul3A_81, %add3A_203 : i32
      %get3A_205 = arith.index_cast %add3A_204 : i32 to index
      %get3A_206 = tpu.vector_load %arg7[%get3A_205] {strides = array<i32>} : memref<6656xf32, #tpu.memory_space<vmem>>, vector<16xf32>,
      %eq3A_207 = arith.cmpi eq, %gather3A_202, %add3A_201 : vector<16xi32>
      %jit3A_208 = arith.constant 0.000000e+00 : f32
      %broadcast_in_dim3A_209 = vector.broadcast %jit3A_208 : f32 to vector<16xf32>
      %select_n3A_210 = arith.select %eq3A_207, %get3A_206, %broadcast_in_dim3A_209 : vector<16xi1>, vector<16xf32>
      %add3A_211 = arith.addf %add3A_197, %select_n3A_210 : vector<16xf32>
      %add3A_212 = arith.constant 32 : i32
      %add3A_213 = arith.addi %mul3A_81, %add3A_212 : i32
      %add3A_214 = vector.broadcast %add3A_213 : i32 to vector<16xi32>
      %add3A_215 = arith.addi %iota3A, %add3A_214 : vector<16xi32>
      %gather3A_216 = tpu.vector_load_idx %arg8[%get3A_101] : memref<100000xi32, #tpu.memory_space<vmem>>[vector<16xi32>], vector<16xi32>,
      %add3A_217 = arith.constant 32 : i32
      %add3A_218 = arith.addi %mul3A_81, %add3A_217 : i32
      %get3A_219 = arith.index_cast %add3A_218 : i32 to index
      %get3A_220 = tpu.vector_load %arg7[%get3A_219] {strides = array<i32>} : memref<6656xf32, #tpu.memory_space<vmem>>, vector<16xf32>,
      %eq3A_221 = arith.cmpi eq, %gather3A_216, %add3A_215 : vector<16xi32>
      %jit3A_222 = arith.constant 0.000000e+00 : f32
      %broadcast_in_dim3A_223 = vector.broadcast %jit3A_222 : f32 to vector<16xf32>
      %select_n3A_224 = arith.select %eq3A_221, %get3A_220, %broadcast_in_dim3A_223 : vector<16xi1>, vector<16xf32>
      %add3A_225 = arith.addf %add3A_211, %select_n3A_224 : vector<16xf32>
      %add3A_226 = arith.constant 48 : i32
      %add3A_227 = arith.addi %mul3A_81, %add3A_226 : i32
      %add3A_228 = vector.broadcast %add3A_227 : i32 to vector<16xi32>
      %add3A_229 = arith.addi %iota3A, %add3A_228 : vector<16xi32>
      %gather3A_230 = tpu.vector_load_idx %arg8[%get3A_109] : memref<100000xi32, #tpu.memory_space<vmem>>[vector<16xi32>], vector<16xi32>,
      %add3A_231 = arith.constant 48 : i32
      %add3A_232 = arith.addi %mul3A_81, %add3A_231 : i32
      %get3A_233 = arith.index_cast %add3A_232 : i32 to index
      %get3A_234 = tpu.vector_load %arg7[%get3A_233] {strides = array<i32>} : memref<6656xf32, #tpu.memory_space<vmem>>, vector<16xf32>,
      %eq3A_235 = arith.cmpi eq, %gather3A_230, %add3A_229 : vector<16xi32>
      %jit3A_236 = arith.constant 0.000000e+00 : f32
      %broadcast_in_dim3A_237 = vector.broadcast %jit3A_236 : f32 to vector<16xf32>
      %select_n3A_238 = arith.select %eq3A_235, %get3A_234, %broadcast_in_dim3A_237 : vector<16xi1>, vector<16xf32>
      %add3A_239 = arith.addf %add3A_225, %select_n3A_238 : vector<16xf32>
      %add3A_240 = arith.constant 64 : i32
      %add3A_241 = arith.addi %mul3A_81, %add3A_240 : i32
      %add3A_242 = vector.broadcast %add3A_241 : i32 to vector<16xi32>
      %add3A_243 = arith.addi %iota3A, %add3A_242 : vector<16xi32>
      %gather3A_244 = tpu.vector_load_idx %arg8[%get3A_117] : memref<100000xi32, #tpu.memory_space<vmem>>[vector<16xi32>], vector<16xi32>,
      %add3A_245 = arith.constant 64 : i32
      %add3A_246 = arith.addi %mul3A_81, %add3A_245 : i32
      %get3A_247 = arith.index_cast %add3A_246 : i32 to index
      %get3A_248 = tpu.vector_load %arg7[%get3A_247] {strides = array<i32>} : memref<6656xf32, #tpu.memory_space<vmem>>, vector<16xf32>,
      %eq3A_249 = arith.cmpi eq, %gather3A_244, %add3A_243 : vector<16xi32>
      %jit3A_250 = arith.constant 0.000000e+00 : f32
      %broadcast_in_dim3A_251 = vector.broadcast %jit3A_250 : f32 to vector<16xf32>
      %select_n3A_252 = arith.select %eq3A_249, %get3A_248, %broadcast_in_dim3A_251 : vector<16xi1>, vector<16xf32>
      %add3A_253 = arith.addf %add3A_239, %select_n3A_252 : vector<16xf32>
      %add3A_254 = arith.constant 80 : i32
      %add3A_255 = arith.addi %mul3A_81, %add3A_254 : i32
      %add3A_256 = vector.broadcast %add3A_255 : i32 to vector<16xi32>
      %add3A_257 = arith.addi %iota3A, %add3A_256 : vector<16xi32>
      %gather3A_258 = tpu.vector_load_idx %arg8[%get3A_125] : memref<100000xi32, #tpu.memory_space<vmem>>[vector<16xi32>], vector<16xi32>,
      %add3A_259 = arith.constant 80 : i32
      %add3A_260 = arith.addi %mul3A_81, %add3A_259 : i32
      %get3A_261 = arith.index_cast %add3A_260 : i32 to index
      %get3A_262 = tpu.vector_load %arg7[%get3A_261] {strides = array<i32>} : memref<6656xf32, #tpu.memory_space<vmem>>, vector<16xf32>,
      %eq3A_263 = arith.cmpi eq, %gather3A_258, %add3A_257 : vector<16xi32>
      %jit3A_264 = arith.constant 0.000000e+00 : f32
      %broadcast_in_dim3A_265 = vector.broadcast %jit3A_264 : f32 to vector<16xf32>
      %select_n3A_266 = arith.select %eq3A_263, %get3A_262, %broadcast_in_dim3A_265 : vector<16xi1>, vector<16xf32>
      %add3A_267 = arith.addf %add3A_253, %select_n3A_266 : vector<16xf32>
      %add3A_268 = arith.constant 96 : i32
      %add3A_269 = arith.addi %mul3A_81, %add3A_268 : i32
      %add3A_270 = vector.broadcast %add3A_269 : i32 to vector<16xi32>
      %add3A_271 = arith.addi %iota3A, %add3A_270 : vector<16xi32>
      %gather3A_272 = tpu.vector_load_idx %arg8[%get3A_133] : memref<100000xi32, #tpu.memory_space<vmem>>[vector<16xi32>], vector<16xi32>,
      %add3A_273 = arith.constant 96 : i32
      %add3A_274 = arith.addi %mul3A_81, %add3A_273 : i32
      %get3A_275 = arith.index_cast %add3A_274 : i32 to index
      %get3A_276 = tpu.vector_load %arg7[%get3A_275] {strides = array<i32>} : memref<6656xf32, #tpu.memory_space<vmem>>, vector<16xf32>,
      %eq3A_277 = arith.cmpi eq, %gather3A_272, %add3A_271 : vector<16xi32>
      %jit3A_278 = arith.constant 0.000000e+00 : f32
      %broadcast_in_dim3A_279 = vector.broadcast %jit3A_278 : f32 to vector<16xf32>
      %select_n3A_280 = arith.select %eq3A_277, %get3A_276, %broadcast_in_dim3A_279 : vector<16xi1>, vector<16xf32>
      %add3A_281 = arith.addf %add3A_267, %select_n3A_280 : vector<16xf32>
      %add3A_282 = arith.constant 112 : i32
      %add3A_283 = arith.addi %mul3A_81, %add3A_282 : i32
      %add3A_284 = vector.broadcast %add3A_283 : i32 to vector<16xi32>
      %add3A_285 = arith.addi %iota3A, %add3A_284 : vector<16xi32>
      %gather3A_286 = tpu.vector_load_idx %arg8[%get3A_141] : memref<100000xi32, #tpu.memory_space<vmem>>[vector<16xi32>], vector<16xi32>,
      %add3A_287 = arith.constant 112 : i32
      %add3A_288 = arith.addi %mul3A_81, %add3A_287 : i32
      %get3A_289 = arith.index_cast %add3A_288 : i32 to index
      %get3A_290 = tpu.vector_load %arg7[%get3A_289] {strides = array<i32>} : memref<6656xf32, #tpu.memory_space<vmem>>, vector<16xf32>,
      %eq3A_291 = arith.cmpi eq, %gather3A_286, %add3A_285 : vector<16xi32>
      %jit3A_292 = arith.constant 0.000000e+00 : f32
      %broadcast_in_dim3A_293 = vector.broadcast %jit3A_292 : f32 to vector<16xf32>
      %select_n3A_294 = arith.select %eq3A_291, %get3A_290, %broadcast_in_dim3A_293 : vector<16xi1>, vector<16xf32>
      %add3A_295 = arith.addf %add3A_281, %select_n3A_294 : vector<16xf32>
      %add3A_296 = arith.constant 128 : i32
      %add3A_297 = arith.addi %mul3A_81, %add3A_296 : i32
      %add3A_298 = vector.broadcast %add3A_297 : i32 to vector<16xi32>
      %add3A_299 = arith.addi %iota3A, %add3A_298 : vector<16xi32>
      %gather3A_300 = tpu.vector_load_idx %arg8[%get3A_149] : memref<100000xi32, #tpu.memory_space<vmem>>[vector<16xi32>], vector<16xi32>,
      %add3A_301 = arith.constant 128 : i32
      %add3A_302 = arith.addi %mul3A_81, %add3A_301 : i32
      %get3A_303 = arith.index_cast %add3A_302 : i32 to index
      %get3A_304 = tpu.vector_load %arg7[%get3A_303] {strides = array<i32>} : memref<6656xf32, #tpu.memory_space<vmem>>, vector<16xf32>,
      %eq3A_305 = arith.cmpi eq, %gather3A_300, %add3A_299 : vector<16xi32>
      %jit3A_306 = arith.constant 0.000000e+00 : f32
      %broadcast_in_dim3A_307 = vector.broadcast %jit3A_306 : f32 to vector<16xf32>
      %select_n3A_308 = arith.select %eq3A_305, %get3A_304, %broadcast_in_dim3A_307 : vector<16xi1>, vector<16xf32>
      %add3A_309 = arith.addf %add3A_295, %select_n3A_308 : vector<16xf32>
      %add3A_310 = arith.constant 144 : i32
      %add3A_311 = arith.addi %mul3A_81, %add3A_310 : i32
      %add3A_312 = vector.broadcast %add3A_311 : i32 to vector<16xi32>
      %add3A_313 = arith.addi %iota3A, %add3A_312 : vector<16xi32>
      %gather3A_314 = tpu.vector_load_idx %arg8[%get3A_157] : memref<100000xi32, #tpu.memory_space<vmem>>[vector<16xi32>], vector<16xi32>,
      %add3A_315 = arith.constant 144 : i32
      %add3A_316 = arith.addi %mul3A_81, %add3A_315 : i32
      %get3A_317 = arith.index_cast %add3A_316 : i32 to index
      %get3A_318 = tpu.vector_load %arg7[%get3A_317] {strides = array<i32>} : memref<6656xf32, #tpu.memory_space<vmem>>, vector<16xf32>,
      %eq3A_319 = arith.cmpi eq, %gather3A_314, %add3A_313 : vector<16xi32>
      %jit3A_320 = arith.constant 0.000000e+00 : f32
      %broadcast_in_dim3A_321 = vector.broadcast %jit3A_320 : f32 to vector<16xf32>
      %select_n3A_322 = arith.select %eq3A_319, %get3A_318, %broadcast_in_dim3A_321 : vector<16xi1>, vector<16xf32>
      %add3A_323 = arith.addf %add3A_309, %select_n3A_322 : vector<16xf32>
      %add3A_324 = arith.constant 160 : i32
      %add3A_325 = arith.addi %mul3A_81, %add3A_324 : i32
      %add3A_326 = vector.broadcast %add3A_325 : i32 to vector<16xi32>
      %add3A_327 = arith.addi %iota3A, %add3A_326 : vector<16xi32>
      %gather3A_328 = tpu.vector_load_idx %arg8[%get3A_165] : memref<100000xi32, #tpu.memory_space<vmem>>[vector<16xi32>], vector<16xi32>,
      %add3A_329 = arith.constant 160 : i32
      %add3A_330 = arith.addi %mul3A_81, %add3A_329 : i32
      %get3A_331 = arith.index_cast %add3A_330 : i32 to index
      %get3A_332 = tpu.vector_load %arg7[%get3A_331] {strides = array<i32>} : memref<6656xf32, #tpu.memory_space<vmem>>, vector<16xf32>,
      %eq3A_333 = arith.cmpi eq, %gather3A_328, %add3A_327 : vector<16xi32>
      %jit3A_334 = arith.constant 0.000000e+00 : f32
      %broadcast_in_dim3A_335 = vector.broadcast %jit3A_334 : f32 to vector<16xf32>
      %select_n3A_336 = arith.select %eq3A_333, %get3A_332, %broadcast_in_dim3A_335 : vector<16xi1>, vector<16xf32>
      %add3A_337 = arith.addf %add3A_323, %select_n3A_336 : vector<16xf32>
      %add3A_338 = arith.constant 176 : i32
      %add3A_339 = arith.addi %mul3A_81, %add3A_338 : i32
      %add3A_340 = vector.broadcast %add3A_339 : i32 to vector<16xi32>
      %add3A_341 = arith.addi %iota3A, %add3A_340 : vector<16xi32>
      %gather3A_342 = tpu.vector_load_idx %arg8[%get3A_173] : memref<100000xi32, #tpu.memory_space<vmem>>[vector<16xi32>], vector<16xi32>,
      %add3A_343 = arith.constant 176 : i32
      %add3A_344 = arith.addi %mul3A_81, %add3A_343 : i32
      %get3A_345 = arith.index_cast %add3A_344 : i32 to index
      %get3A_346 = tpu.vector_load %arg7[%get3A_345] {strides = array<i32>} : memref<6656xf32, #tpu.memory_space<vmem>>, vector<16xf32>,
      %eq3A_347 = arith.cmpi eq, %gather3A_342, %add3A_341 : vector<16xi32>
      %jit3A_348 = arith.constant 0.000000e+00 : f32
      %broadcast_in_dim3A_349 = vector.broadcast %jit3A_348 : f32 to vector<16xf32>
      %select_n3A_350 = arith.select %eq3A_347, %get3A_346, %broadcast_in_dim3A_349 : vector<16xi1>, vector<16xf32>
      %add3A_351 = arith.addf %add3A_337, %select_n3A_350 : vector<16xf32>
      %add3A_352 = arith.constant 192 : i32
      %add3A_353 = arith.addi %mul3A_81, %add3A_352 : i32
      %add3A_354 = vector.broadcast %add3A_353 : i32 to vector<16xi32>
      %add3A_355 = arith.addi %iota3A, %add3A_354 : vector<16xi32>
      %gather3A_356 = tpu.vector_load_idx %arg8[%get3A_181] : memref<100000xi32, #tpu.memory_space<vmem>>[vector<16xi32>], vector<16xi32>,
      %add3A_357 = arith.constant 192 : i32
      %add3A_358 = arith.addi %mul3A_81, %add3A_357 : i32
      %get3A_359 = arith.index_cast %add3A_358 : i32 to index
      %get3A_360 = tpu.vector_load %arg7[%get3A_359] {strides = array<i32>} : memref<6656xf32, #tpu.memory_space<vmem>>, vector<16xf32>,
      %eq3A_361 = arith.cmpi eq, %gather3A_356, %add3A_355 : vector<16xi32>
      %and3A = arith.andi %eq3A_361, %lt3A_29 : vector<16xi1>
      %jit3A_362 = arith.constant 0.000000e+00 : f32
      %broadcast_in_dim3A_363 = vector.broadcast %jit3A_362 : f32 to vector<16xf32>
      %select_n3A_364 = arith.select %and3A, %get3A_360, %broadcast_in_dim3A_363 : vector<16xi1>, vector<16xf32>
      %add3A_365 = arith.addf %add3A_351, %select_n3A_364 : vector<16xf32>
      %reduce_sum3A = arith.constant true
      %reduce_sum3A_366 = vector.broadcast %reduce_sum3A : i1 to vector<16xi1>
      %reduce_sum3A_367 = tpu.scan <sum>, %add3A_365 masked %reduce_sum3A_366 : vector<16xf32>, vector<16xi1> -> vector<16xf32>
      %reduce_sum3A_368 = vector.extract %reduce_sum3A_367[15] : f32 from vector<16xf32>
      %broadcast_in_dim3A_369 = vector.broadcast %reduce_sum3A_368 : f32 to vector<16xf32>
      %add3A_370 = arith.addf %broadcast_in_dim3A_369, %get3A_30 : vector<16xf32>
      %broadcast_in_dim3A_371 = vector.broadcast %scan3A_79 : i32 to vector<16xi32>
      %eq3A_372 = arith.constant 0 : i32
      %eq3A_373 = vector.broadcast %eq3A_372 : i32 to vector<16xi32>
      %eq3A_374 = arith.cmpi eq, %iota3A, %eq3A_373 : vector<16xi32>
      tpu.vector_store_idx %arg9[%broadcast_in_dim3A_371], %add3A_370 masked %eq3A_374 : memref<32xf32, #tpu.memory_space<vmem>>[vector<16xi32>], vector<16xf32>, vector<16xi1>
    }
    %scan3A_40 = arith.constant 8 : i32
    %dma_wait3A_41 = arith.constant 1664 : i32
    %dma_wait3A_42 = tpu.memref_slice %arg7[%dma_wait3A_41] : memref<6656xf32, #tpu.memory_space<vmem>> -> memref<1664xf32, #tpu.memory_space<vmem>>
    %dma_wait3A_43 = arith.constant 1664 : i32
    %dma_wait3A_44 = tpu.memref_slice %arg6[%dma_wait3A_43] : memref<6656xi32, #tpu.memory_space<vmem>> -> memref<1664xi32, #tpu.memory_space<vmem>>
    %dma_wait3A_45 = arith.constant 0 : i32
    %dma_wait3A_46 = tpu.memref_slice %arg11[%dma_wait3A_45] : memref<100000xf32, #tpu.memory_space<vmem_shared>> -> memref<100000xf32, #tpu.memory_space<vmem_shared>>
    tpu.wait_indirect_dma semaphore(%arg13 : memref<!tpu.dma_semaphore, #tpu.memory_space<semaphore_mem>>) src(%dma_wait3A_46 : memref<100000xf32, #tpu.memory_space<vmem_shared>>) dst(%dma_wait3A_42 : memref<1664xf32, #tpu.memory_space<vmem>>)
    %scan3A_47 = arith.constant 0 : i32
    %scan3A_48 = arith.constant 8 : i32
    %scan3A_49 = arith.constant 8 : i32
    %scan3A_50 = arith.addi %scan3A_48, %scan3A_49 : i32
    %scan3A_51 = arith.constant 1 : i32
    scf.for %scan3A_79 = %scan3A_48 to %scan3A_50 step %scan3A_51  : i32 {
      %mul3A_80 = arith.constant 208 : i32
      %mul3A_81 = arith.muli %scan3A_79, %mul3A_80 : i32
      %add3A_82 = arith.constant 0 : i32
      %add3A_83 = arith.addi %mul3A_81, %add3A_82 : i32
      %get3A_84 = arith.index_cast %add3A_83 : i32 to index
      %get3A_85 = tpu.vector_load %arg6[%get3A_84] {strides = array<i32>} : memref<6656xi32, #tpu.memory_space<vmem>>, vector<16xi32>,
      %add3A_86 = arith.constant 0 : i32
      %add3A_87 = arith.addi %mul3A_81, %add3A_86 : i32
      %add3A_88 = vector.broadcast %add3A_87 : i32 to vector<16xi32>
      %add3A_89 = arith.addi %iota3A, %add3A_88 : vector<16xi32>
      tpu.vector_store_idx %arg8[%get3A_85], %add3A_89 : memref<100000xi32, #tpu.memory_space<vmem>>[vector<16xi32>], vector<16xi32>,
      %add3A_90 = arith.constant 16 : i32
      %add3A_91 = arith.addi %mul3A_81, %add3A_90 : i32
      %get3A_92 = arith.index_cast %add3A_91 : i32 to index
      %get3A_93 = tpu.vector_load %arg6[%get3A_92] {strides = array<i32>} : memref<6656xi32, #tpu.memory_space<vmem>>, vector<16xi32>,
      %add3A_94 = arith.constant 16 : i32
      %add3A_95 = arith.addi %mul3A_81, %add3A_94 : i32
      %add3A_96 = vector.broadcast %add3A_95 : i32 to vector<16xi32>
      %add3A_97 = arith.addi %iota3A, %add3A_96 : vector<16xi32>
      tpu.vector_store_idx %arg8[%get3A_93], %add3A_97 : memref<100000xi32, #tpu.memory_space<vmem>>[vector<16xi32>], vector<16xi32>,
      %add3A_98 = arith.constant 32 : i32
      %add3A_99 = arith.addi %mul3A_81, %add3A_98 : i32
      %get3A_100 = arith.index_cast %add3A_99 : i32 to index
      %get3A_101 = tpu.vector_load %arg6[%get3A_100] {strides = array<i32>} : memref<6656xi32, #tpu.memory_space<vmem>>, vector<16xi32>,
      %add3A_102 = arith.constant 32 : i32
      %add3A_103 = arith.addi %mul3A_81, %add3A_102 : i32
      %add3A_104 = vector.broadcast %add3A_103 : i32 to vector<16xi32>
      %add3A_105 = arith.addi %iota3A, %add3A_104 : vector<16xi32>
      tpu.vector_store_idx %arg8[%get3A_101], %add3A_105 : memref<100000xi32, #tpu.memory_space<vmem>>[vector<16xi32>], vector<16xi32>,
      %add3A_106 = arith.constant 48 : i32
      %add3A_107 = arith.addi %mul3A_81, %add3A_106 : i32
      %get3A_108 = arith.index_cast %add3A_107 : i32 to index
      %get3A_109 = tpu.vector_load %arg6[%get3A_108] {strides = array<i32>} : memref<6656xi32, #tpu.memory_space<vmem>>, vector<16xi32>,
      %add3A_110 = arith.constant 48 : i32
      %add3A_111 = arith.addi %mul3A_81, %add3A_110 : i32
      %add3A_112 = vector.broadcast %add3A_111 : i32 to vector<16xi32>
      %add3A_113 = arith.addi %iota3A, %add3A_112 : vector<16xi32>
      tpu.vector_store_idx %arg8[%get3A_109], %add3A_113 : memref<100000xi32, #tpu.memory_space<vmem>>[vector<16xi32>], vector<16xi32>,
      %add3A_114 = arith.constant 64 : i32
      %add3A_115 = arith.addi %mul3A_81, %add3A_114 : i32
      %get3A_116 = arith.index_cast %add3A_115 : i32 to index
      %get3A_117 = tpu.vector_load %arg6[%get3A_116] {strides = array<i32>} : memref<6656xi32, #tpu.memory_space<vmem>>, vector<16xi32>,
      %add3A_118 = arith.constant 64 : i32
      %add3A_119 = arith.addi %mul3A_81, %add3A_118 : i32
      %add3A_120 = vector.broadcast %add3A_119 : i32 to vector<16xi32>
      %add3A_121 = arith.addi %iota3A, %add3A_120 : vector<16xi32>
      tpu.vector_store_idx %arg8[%get3A_117], %add3A_121 : memref<100000xi32, #tpu.memory_space<vmem>>[vector<16xi32>], vector<16xi32>,
      %add3A_122 = arith.constant 80 : i32
      %add3A_123 = arith.addi %mul3A_81, %add3A_122 : i32
      %get3A_124 = arith.index_cast %add3A_123 : i32 to index
      %get3A_125 = tpu.vector_load %arg6[%get3A_124] {strides = array<i32>} : memref<6656xi32, #tpu.memory_space<vmem>>, vector<16xi32>,
      %add3A_126 = arith.constant 80 : i32
      %add3A_127 = arith.addi %mul3A_81, %add3A_126 : i32
      %add3A_128 = vector.broadcast %add3A_127 : i32 to vector<16xi32>
      %add3A_129 = arith.addi %iota3A, %add3A_128 : vector<16xi32>
      tpu.vector_store_idx %arg8[%get3A_125], %add3A_129 : memref<100000xi32, #tpu.memory_space<vmem>>[vector<16xi32>], vector<16xi32>,
      %add3A_130 = arith.constant 96 : i32
      %add3A_131 = arith.addi %mul3A_81, %add3A_130 : i32
      %get3A_132 = arith.index_cast %add3A_131 : i32 to index
      %get3A_133 = tpu.vector_load %arg6[%get3A_132] {strides = array<i32>} : memref<6656xi32, #tpu.memory_space<vmem>>, vector<16xi32>,
      %add3A_134 = arith.constant 96 : i32
      %add3A_135 = arith.addi %mul3A_81, %add3A_134 : i32
      %add3A_136 = vector.broadcast %add3A_135 : i32 to vector<16xi32>
      %add3A_137 = arith.addi %iota3A, %add3A_136 : vector<16xi32>
      tpu.vector_store_idx %arg8[%get3A_133], %add3A_137 : memref<100000xi32, #tpu.memory_space<vmem>>[vector<16xi32>], vector<16xi32>,
      %add3A_138 = arith.constant 112 : i32
      %add3A_139 = arith.addi %mul3A_81, %add3A_138 : i32
      %get3A_140 = arith.index_cast %add3A_139 : i32 to index
      %get3A_141 = tpu.vector_load %arg6[%get3A_140] {strides = array<i32>} : memref<6656xi32, #tpu.memory_space<vmem>>, vector<16xi32>,
      %add3A_142 = arith.constant 112 : i32
      %add3A_143 = arith.addi %mul3A_81, %add3A_142 : i32
      %add3A_144 = vector.broadcast %add3A_143 : i32 to vector<16xi32>
      %add3A_145 = arith.addi %iota3A, %add3A_144 : vector<16xi32>
      tpu.vector_store_idx %arg8[%get3A_141], %add3A_145 : memref<100000xi32, #tpu.memory_space<vmem>>[vector<16xi32>], vector<16xi32>,
      %add3A_146 = arith.constant 128 : i32
      %add3A_147 = arith.addi %mul3A_81, %add3A_146 : i32
      %get3A_148 = arith.index_cast %add3A_147 : i32 to index
      %get3A_149 = tpu.vector_load %arg6[%get3A_148] {strides = array<i32>} : memref<6656xi32, #tpu.memory_space<vmem>>, vector<16xi32>,
      %add3A_150 = arith.constant 128 : i32
      %add3A_151 = arith.addi %mul3A_81, %add3A_150 : i32
      %add3A_152 = vector.broadcast %add3A_151 : i32 to vector<16xi32>
      %add3A_153 = arith.addi %iota3A, %add3A_152 : vector<16xi32>
      tpu.vector_store_idx %arg8[%get3A_149], %add3A_153 : memref<100000xi32, #tpu.memory_space<vmem>>[vector<16xi32>], vector<16xi32>,
      %add3A_154 = arith.constant 144 : i32
      %add3A_155 = arith.addi %mul3A_81, %add3A_154 : i32
      %get3A_156 = arith.index_cast %add3A_155 : i32 to index
      %get3A_157 = tpu.vector_load %arg6[%get3A_156] {strides = array<i32>} : memref<6656xi32, #tpu.memory_space<vmem>>, vector<16xi32>,
      %add3A_158 = arith.constant 144 : i32
      %add3A_159 = arith.addi %mul3A_81, %add3A_158 : i32
      %add3A_160 = vector.broadcast %add3A_159 : i32 to vector<16xi32>
      %add3A_161 = arith.addi %iota3A, %add3A_160 : vector<16xi32>
      tpu.vector_store_idx %arg8[%get3A_157], %add3A_161 : memref<100000xi32, #tpu.memory_space<vmem>>[vector<16xi32>], vector<16xi32>,
      %add3A_162 = arith.constant 160 : i32
      %add3A_163 = arith.addi %mul3A_81, %add3A_162 : i32
      %get3A_164 = arith.index_cast %add3A_163 : i32 to index
      %get3A_165 = tpu.vector_load %arg6[%get3A_164] {strides = array<i32>} : memref<6656xi32, #tpu.memory_space<vmem>>, vector<16xi32>,
      %add3A_166 = arith.constant 160 : i32
      %add3A_167 = arith.addi %mul3A_81, %add3A_166 : i32
      %add3A_168 = vector.broadcast %add3A_167 : i32 to vector<16xi32>
      %add3A_169 = arith.addi %iota3A, %add3A_168 : vector<16xi32>
      tpu.vector_store_idx %arg8[%get3A_165], %add3A_169 : memref<100000xi32, #tpu.memory_space<vmem>>[vector<16xi32>], vector<16xi32>,
      %add3A_170 = arith.constant 176 : i32
      %add3A_171 = arith.addi %mul3A_81, %add3A_170 : i32
      %get3A_172 = arith.index_cast %add3A_171 : i32 to index
      %get3A_173 = tpu.vector_load %arg6[%get3A_172] {strides = array<i32>} : memref<6656xi32, #tpu.memory_space<vmem>>, vector<16xi32>,
      %add3A_174 = arith.constant 176 : i32
      %add3A_175 = arith.addi %mul3A_81, %add3A_174 : i32
      %add3A_176 = vector.broadcast %add3A_175 : i32 to vector<16xi32>
      %add3A_177 = arith.addi %iota3A, %add3A_176 : vector<16xi32>
      tpu.vector_store_idx %arg8[%get3A_173], %add3A_177 : memref<100000xi32, #tpu.memory_space<vmem>>[vector<16xi32>], vector<16xi32>,
      %add3A_178 = arith.constant 192 : i32
      %add3A_179 = arith.addi %mul3A_81, %add3A_178 : i32
      %get3A_180 = arith.index_cast %add3A_179 : i32 to index
      %get3A_181 = tpu.vector_load %arg6[%get3A_180] {strides = array<i32>} : memref<6656xi32, #tpu.memory_space<vmem>>, vector<16xi32>,
      %add3A_182 = arith.constant 192 : i32
      %add3A_183 = arith.addi %mul3A_81, %add3A_182 : i32
      %add3A_184 = vector.broadcast %add3A_183 : i32 to vector<16xi32>
      %add3A_185 = arith.addi %iota3A, %add3A_184 : vector<16xi32>
      tpu.vector_store_idx %arg8[%get3A_181], %add3A_185 masked %lt3A_29 : memref<100000xi32, #tpu.memory_space<vmem>>[vector<16xi32>], vector<16xi32>, vector<16xi1>
      %broadcast_in_dim3A = arith.constant 0.000000e+00 : f32
      %broadcast_in_dim3A_186 = vector.broadcast %broadcast_in_dim3A : f32 to vector<16xf32>
      %add3A_187 = arith.constant 0 : i32
      %add3A_188 = arith.addi %mul3A_81, %add3A_187 : i32
      %add3A_189 = vector.broadcast %add3A_188 : i32 to vector<16xi32>
      %add3A_190 = arith.addi %iota3A, %add3A_189 : vector<16xi32>
      %gather3A = tpu.vector_load_idx %arg8[%get3A_85] : memref<100000xi32, #tpu.memory_space<vmem>>[vector<16xi32>], vector<16xi32>,
      %add3A_191 = arith.constant 0 : i32
      %add3A_192 = arith.addi %mul3A_81, %add3A_191 : i32
      %get3A_193 = arith.index_cast %add3A_192 : i32 to index
      %get3A_194 = tpu.vector_load %arg7[%get3A_193] {strides = array<i32>} : memref<6656xf32, #tpu.memory_space<vmem>>, vector<16xf32>,
      %eq3A_195 = arith.cmpi eq, %gather3A, %add3A_190 : vector<16xi32>
      %jit3A = arith.constant 0.000000e+00 : f32
      %broadcast_in_dim3A_196 = vector.broadcast %jit3A : f32 to vector<16xf32>
      %select_n3A = arith.select %eq3A_195, %get3A_194, %broadcast_in_dim3A_196 : vector<16xi1>, vector<16xf32>
      %add3A_197 = arith.addf %broadcast_in_dim3A_186, %select_n3A : vector<16xf32>
      %add3A_198 = arith.constant 16 : i32
      %add3A_199 = arith.addi %mul3A_81, %add3A_198 : i32
      %add3A_200 = vector.broadcast %add3A_199 : i32 to vector<16xi32>
      %add3A_201 = arith.addi %iota3A, %add3A_200 : vector<16xi32>
      %gather3A_202 = tpu.vector_load_idx %arg8[%get3A_93] : memref<100000xi32, #tpu.memory_space<vmem>>[vector<16xi32>], vector<16xi32>,
      %add3A_203 = arith.constant 16 : i32
      %add3A_204 = arith.addi %mul3A_81, %add3A_203 : i32
      %get3A_205 = arith.index_cast %add3A_204 : i32 to index
      %get3A_206 = tpu.vector_load %arg7[%get3A_205] {strides = array<i32>} : memref<6656xf32, #tpu.memory_space<vmem>>, vector<16xf32>,
      %eq3A_207 = arith.cmpi eq, %gather3A_202, %add3A_201 : vector<16xi32>
      %jit3A_208 = arith.constant 0.000000e+00 : f32
      %broadcast_in_dim3A_209 = vector.broadcast %jit3A_208 : f32 to vector<16xf32>
      %select_n3A_210 = arith.select %eq3A_207, %get3A_206, %broadcast_in_dim3A_209 : vector<16xi1>, vector<16xf32>
      %add3A_211 = arith.addf %add3A_197, %select_n3A_210 : vector<16xf32>
      %add3A_212 = arith.constant 32 : i32
      %add3A_213 = arith.addi %mul3A_81, %add3A_212 : i32
      %add3A_214 = vector.broadcast %add3A_213 : i32 to vector<16xi32>
      %add3A_215 = arith.addi %iota3A, %add3A_214 : vector<16xi32>
      %gather3A_216 = tpu.vector_load_idx %arg8[%get3A_101] : memref<100000xi32, #tpu.memory_space<vmem>>[vector<16xi32>], vector<16xi32>,
      %add3A_217 = arith.constant 32 : i32
      %add3A_218 = arith.addi %mul3A_81, %add3A_217 : i32
      %get3A_219 = arith.index_cast %add3A_218 : i32 to index
      %get3A_220 = tpu.vector_load %arg7[%get3A_219] {strides = array<i32>} : memref<6656xf32, #tpu.memory_space<vmem>>, vector<16xf32>,
      %eq3A_221 = arith.cmpi eq, %gather3A_216, %add3A_215 : vector<16xi32>
      %jit3A_222 = arith.constant 0.000000e+00 : f32
      %broadcast_in_dim3A_223 = vector.broadcast %jit3A_222 : f32 to vector<16xf32>
      %select_n3A_224 = arith.select %eq3A_221, %get3A_220, %broadcast_in_dim3A_223 : vector<16xi1>, vector<16xf32>
      %add3A_225 = arith.addf %add3A_211, %select_n3A_224 : vector<16xf32>
      %add3A_226 = arith.constant 48 : i32
      %add3A_227 = arith.addi %mul3A_81, %add3A_226 : i32
      %add3A_228 = vector.broadcast %add3A_227 : i32 to vector<16xi32>
      %add3A_229 = arith.addi %iota3A, %add3A_228 : vector<16xi32>
      %gather3A_230 = tpu.vector_load_idx %arg8[%get3A_109] : memref<100000xi32, #tpu.memory_space<vmem>>[vector<16xi32>], vector<16xi32>,
      %add3A_231 = arith.constant 48 : i32
      %add3A_232 = arith.addi %mul3A_81, %add3A_231 : i32
      %get3A_233 = arith.index_cast %add3A_232 : i32 to index
      %get3A_234 = tpu.vector_load %arg7[%get3A_233] {strides = array<i32>} : memref<6656xf32, #tpu.memory_space<vmem>>, vector<16xf32>,
      %eq3A_235 = arith.cmpi eq, %gather3A_230, %add3A_229 : vector<16xi32>
      %jit3A_236 = arith.constant 0.000000e+00 : f32
      %broadcast_in_dim3A_237 = vector.broadcast %jit3A_236 : f32 to vector<16xf32>
      %select_n3A_238 = arith.select %eq3A_235, %get3A_234, %broadcast_in_dim3A_237 : vector<16xi1>, vector<16xf32>
      %add3A_239 = arith.addf %add3A_225, %select_n3A_238 : vector<16xf32>
      %add3A_240 = arith.constant 64 : i32
      %add3A_241 = arith.addi %mul3A_81, %add3A_240 : i32
      %add3A_242 = vector.broadcast %add3A_241 : i32 to vector<16xi32>
      %add3A_243 = arith.addi %iota3A, %add3A_242 : vector<16xi32>
      %gather3A_244 = tpu.vector_load_idx %arg8[%get3A_117] : memref<100000xi32, #tpu.memory_space<vmem>>[vector<16xi32>], vector<16xi32>,
      %add3A_245 = arith.constant 64 : i32
      %add3A_246 = arith.addi %mul3A_81, %add3A_245 : i32
      %get3A_247 = arith.index_cast %add3A_246 : i32 to index
      %get3A_248 = tpu.vector_load %arg7[%get3A_247] {strides = array<i32>} : memref<6656xf32, #tpu.memory_space<vmem>>, vector<16xf32>,
      %eq3A_249 = arith.cmpi eq, %gather3A_244, %add3A_243 : vector<16xi32>
      %jit3A_250 = arith.constant 0.000000e+00 : f32
      %broadcast_in_dim3A_251 = vector.broadcast %jit3A_250 : f32 to vector<16xf32>
      %select_n3A_252 = arith.select %eq3A_249, %get3A_248, %broadcast_in_dim3A_251 : vector<16xi1>, vector<16xf32>
      %add3A_253 = arith.addf %add3A_239, %select_n3A_252 : vector<16xf32>
      %add3A_254 = arith.constant 80 : i32
      %add3A_255 = arith.addi %mul3A_81, %add3A_254 : i32
      %add3A_256 = vector.broadcast %add3A_255 : i32 to vector<16xi32>
      %add3A_257 = arith.addi %iota3A, %add3A_256 : vector<16xi32>
      %gather3A_258 = tpu.vector_load_idx %arg8[%get3A_125] : memref<100000xi32, #tpu.memory_space<vmem>>[vector<16xi32>], vector<16xi32>,
      %add3A_259 = arith.constant 80 : i32
      %add3A_260 = arith.addi %mul3A_81, %add3A_259 : i32
      %get3A_261 = arith.index_cast %add3A_260 : i32 to index
      %get3A_262 = tpu.vector_load %arg7[%get3A_261] {strides = array<i32>} : memref<6656xf32, #tpu.memory_space<vmem>>, vector<16xf32>,
      %eq3A_263 = arith.cmpi eq, %gather3A_258, %add3A_257 : vector<16xi32>
      %jit3A_264 = arith.constant 0.000000e+00 : f32
      %broadcast_in_dim3A_265 = vector.broadcast %jit3A_264 : f32 to vector<16xf32>
      %select_n3A_266 = arith.select %eq3A_263, %get3A_262, %broadcast_in_dim3A_265 : vector<16xi1>, vector<16xf32>
      %add3A_267 = arith.addf %add3A_253, %select_n3A_266 : vector<16xf32>
      %add3A_268 = arith.constant 96 : i32
      %add3A_269 = arith.addi %mul3A_81, %add3A_268 : i32
      %add3A_270 = vector.broadcast %add3A_269 : i32 to vector<16xi32>
      %add3A_271 = arith.addi %iota3A, %add3A_270 : vector<16xi32>
      %gather3A_272 = tpu.vector_load_idx %arg8[%get3A_133] : memref<100000xi32, #tpu.memory_space<vmem>>[vector<16xi32>], vector<16xi32>,
      %add3A_273 = arith.constant 96 : i32
      %add3A_274 = arith.addi %mul3A_81, %add3A_273 : i32
      %get3A_275 = arith.index_cast %add3A_274 : i32 to index
      %get3A_276 = tpu.vector_load %arg7[%get3A_275] {strides = array<i32>} : memref<6656xf32, #tpu.memory_space<vmem>>, vector<16xf32>,
      %eq3A_277 = arith.cmpi eq, %gather3A_272, %add3A_271 : vector<16xi32>
      %jit3A_278 = arith.constant 0.000000e+00 : f32
      %broadcast_in_dim3A_279 = vector.broadcast %jit3A_278 : f32 to vector<16xf32>
      %select_n3A_280 = arith.select %eq3A_277, %get3A_276, %broadcast_in_dim3A_279 : vector<16xi1>, vector<16xf32>
      %add3A_281 = arith.addf %add3A_267, %select_n3A_280 : vector<16xf32>
      %add3A_282 = arith.constant 112 : i32
      %add3A_283 = arith.addi %mul3A_81, %add3A_282 : i32
      %add3A_284 = vector.broadcast %add3A_283 : i32 to vector<16xi32>
      %add3A_285 = arith.addi %iota3A, %add3A_284 : vector<16xi32>
      %gather3A_286 = tpu.vector_load_idx %arg8[%get3A_141] : memref<100000xi32, #tpu.memory_space<vmem>>[vector<16xi32>], vector<16xi32>,
      %add3A_287 = arith.constant 112 : i32
      %add3A_288 = arith.addi %mul3A_81, %add3A_287 : i32
      %get3A_289 = arith.index_cast %add3A_288 : i32 to index
      %get3A_290 = tpu.vector_load %arg7[%get3A_289] {strides = array<i32>} : memref<6656xf32, #tpu.memory_space<vmem>>, vector<16xf32>,
      %eq3A_291 = arith.cmpi eq, %gather3A_286, %add3A_285 : vector<16xi32>
      %jit3A_292 = arith.constant 0.000000e+00 : f32
      %broadcast_in_dim3A_293 = vector.broadcast %jit3A_292 : f32 to vector<16xf32>
      %select_n3A_294 = arith.select %eq3A_291, %get3A_290, %broadcast_in_dim3A_293 : vector<16xi1>, vector<16xf32>
      %add3A_295 = arith.addf %add3A_281, %select_n3A_294 : vector<16xf32>
      %add3A_296 = arith.constant 128 : i32
      %add3A_297 = arith.addi %mul3A_81, %add3A_296 : i32
      %add3A_298 = vector.broadcast %add3A_297 : i32 to vector<16xi32>
      %add3A_299 = arith.addi %iota3A, %add3A_298 : vector<16xi32>
      %gather3A_300 = tpu.vector_load_idx %arg8[%get3A_149] : memref<100000xi32, #tpu.memory_space<vmem>>[vector<16xi32>], vector<16xi32>,
      %add3A_301 = arith.constant 128 : i32
      %add3A_302 = arith.addi %mul3A_81, %add3A_301 : i32
      %get3A_303 = arith.index_cast %add3A_302 : i32 to index
      %get3A_304 = tpu.vector_load %arg7[%get3A_303] {strides = array<i32>} : memref<6656xf32, #tpu.memory_space<vmem>>, vector<16xf32>,
      %eq3A_305 = arith.cmpi eq, %gather3A_300, %add3A_299 : vector<16xi32>
      %jit3A_306 = arith.constant 0.000000e+00 : f32
      %broadcast_in_dim3A_307 = vector.broadcast %jit3A_306 : f32 to vector<16xf32>
      %select_n3A_308 = arith.select %eq3A_305, %get3A_304, %broadcast_in_dim3A_307 : vector<16xi1>, vector<16xf32>
      %add3A_309 = arith.addf %add3A_295, %select_n3A_308 : vector<16xf32>
      %add3A_310 = arith.constant 144 : i32
      %add3A_311 = arith.addi %mul3A_81, %add3A_310 : i32
      %add3A_312 = vector.broadcast %add3A_311 : i32 to vector<16xi32>
      %add3A_313 = arith.addi %iota3A, %add3A_312 : vector<16xi32>
      %gather3A_314 = tpu.vector_load_idx %arg8[%get3A_157] : memref<100000xi32, #tpu.memory_space<vmem>>[vector<16xi32>], vector<16xi32>,
      %add3A_315 = arith.constant 144 : i32
      %add3A_316 = arith.addi %mul3A_81, %add3A_315 : i32
      %get3A_317 = arith.index_cast %add3A_316 : i32 to index
      %get3A_318 = tpu.vector_load %arg7[%get3A_317] {strides = array<i32>} : memref<6656xf32, #tpu.memory_space<vmem>>, vector<16xf32>,
      %eq3A_319 = arith.cmpi eq, %gather3A_314, %add3A_313 : vector<16xi32>
      %jit3A_320 = arith.constant 0.000000e+00 : f32
      %broadcast_in_dim3A_321 = vector.broadcast %jit3A_320 : f32 to vector<16xf32>
      %select_n3A_322 = arith.select %eq3A_319, %get3A_318, %broadcast_in_dim3A_321 : vector<16xi1>, vector<16xf32>
      %add3A_323 = arith.addf %add3A_309, %select_n3A_322 : vector<16xf32>
      %add3A_324 = arith.constant 160 : i32
      %add3A_325 = arith.addi %mul3A_81, %add3A_324 : i32
      %add3A_326 = vector.broadcast %add3A_325 : i32 to vector<16xi32>
      %add3A_327 = arith.addi %iota3A, %add3A_326 : vector<16xi32>
      %gather3A_328 = tpu.vector_load_idx %arg8[%get3A_165] : memref<100000xi32, #tpu.memory_space<vmem>>[vector<16xi32>], vector<16xi32>,
      %add3A_329 = arith.constant 160 : i32
      %add3A_330 = arith.addi %mul3A_81, %add3A_329 : i32
      %get3A_331 = arith.index_cast %add3A_330 : i32 to index
      %get3A_332 = tpu.vector_load %arg7[%get3A_331] {strides = array<i32>} : memref<6656xf32, #tpu.memory_space<vmem>>, vector<16xf32>,
      %eq3A_333 = arith.cmpi eq, %gather3A_328, %add3A_327 : vector<16xi32>
      %jit3A_334 = arith.constant 0.000000e+00 : f32
      %broadcast_in_dim3A_335 = vector.broadcast %jit3A_334 : f32 to vector<16xf32>
      %select_n3A_336 = arith.select %eq3A_333, %get3A_332, %broadcast_in_dim3A_335 : vector<16xi1>, vector<16xf32>
      %add3A_337 = arith.addf %add3A_323, %select_n3A_336 : vector<16xf32>
      %add3A_338 = arith.constant 176 : i32
      %add3A_339 = arith.addi %mul3A_81, %add3A_338 : i32
      %add3A_340 = vector.broadcast %add3A_339 : i32 to vector<16xi32>
      %add3A_341 = arith.addi %iota3A, %add3A_340 : vector<16xi32>
      %gather3A_342 = tpu.vector_load_idx %arg8[%get3A_173] : memref<100000xi32, #tpu.memory_space<vmem>>[vector<16xi32>], vector<16xi32>,
      %add3A_343 = arith.constant 176 : i32
      %add3A_344 = arith.addi %mul3A_81, %add3A_343 : i32
      %get3A_345 = arith.index_cast %add3A_344 : i32 to index
      %get3A_346 = tpu.vector_load %arg7[%get3A_345] {strides = array<i32>} : memref<6656xf32, #tpu.memory_space<vmem>>, vector<16xf32>,
      %eq3A_347 = arith.cmpi eq, %gather3A_342, %add3A_341 : vector<16xi32>
      %jit3A_348 = arith.constant 0.000000e+00 : f32
      %broadcast_in_dim3A_349 = vector.broadcast %jit3A_348 : f32 to vector<16xf32>
      %select_n3A_350 = arith.select %eq3A_347, %get3A_346, %broadcast_in_dim3A_349 : vector<16xi1>, vector<16xf32>
      %add3A_351 = arith.addf %add3A_337, %select_n3A_350 : vector<16xf32>
      %add3A_352 = arith.constant 192 : i32
      %add3A_353 = arith.addi %mul3A_81, %add3A_352 : i32
      %add3A_354 = vector.broadcast %add3A_353 : i32 to vector<16xi32>
      %add3A_355 = arith.addi %iota3A, %add3A_354 : vector<16xi32>
      %gather3A_356 = tpu.vector_load_idx %arg8[%get3A_181] : memref<100000xi32, #tpu.memory_space<vmem>>[vector<16xi32>], vector<16xi32>,
      %add3A_357 = arith.constant 192 : i32
      %add3A_358 = arith.addi %mul3A_81, %add3A_357 : i32
      %get3A_359 = arith.index_cast %add3A_358 : i32 to index
      %get3A_360 = tpu.vector_load %arg7[%get3A_359] {strides = array<i32>} : memref<6656xf32, #tpu.memory_space<vmem>>, vector<16xf32>,
      %eq3A_361 = arith.cmpi eq, %gather3A_356, %add3A_355 : vector<16xi32>
      %and3A = arith.andi %eq3A_361, %lt3A_29 : vector<16xi1>
      %jit3A_362 = arith.constant 0.000000e+00 : f32
      %broadcast_in_dim3A_363 = vector.broadcast %jit3A_362 : f32 to vector<16xf32>
      %select_n3A_364 = arith.select %and3A, %get3A_360, %broadcast_in_dim3A_363 : vector<16xi1>, vector<16xf32>
      %add3A_365 = arith.addf %add3A_351, %select_n3A_364 : vector<16xf32>
      %reduce_sum3A = arith.constant true
      %reduce_sum3A_366 = vector.broadcast %reduce_sum3A : i1 to vector<16xi1>
      %reduce_sum3A_367 = tpu.scan <sum>, %add3A_365 masked %reduce_sum3A_366 : vector<16xf32>, vector<16xi1> -> vector<16xf32>
      %reduce_sum3A_368 = vector.extract %reduce_sum3A_367[15] : f32 from vector<16xf32>
      %broadcast_in_dim3A_369 = vector.broadcast %reduce_sum3A_368 : f32 to vector<16xf32>
      %add3A_370 = arith.addf %broadcast_in_dim3A_369, %get3A_30 : vector<16xf32>
      %broadcast_in_dim3A_371 = vector.broadcast %scan3A_79 : i32 to vector<16xi32>
      %eq3A_372 = arith.constant 0 : i32
      %eq3A_373 = vector.broadcast %eq3A_372 : i32 to vector<16xi32>
      %eq3A_374 = arith.cmpi eq, %iota3A, %eq3A_373 : vector<16xi32>
      tpu.vector_store_idx %arg9[%broadcast_in_dim3A_371], %add3A_370 masked %eq3A_374 : memref<32xf32, #tpu.memory_space<vmem>>[vector<16xi32>], vector<16xf32>, vector<16xi1>
    }
    %scan3A_52 = arith.constant 8 : i32
    %dma_wait3A_53 = arith.constant 3328 : i32
    %dma_wait3A_54 = tpu.memref_slice %arg7[%dma_wait3A_53] : memref<6656xf32, #tpu.memory_space<vmem>> -> memref<1664xf32, #tpu.memory_space<vmem>>
    %dma_wait3A_55 = arith.constant 3328 : i32
    %dma_wait3A_56 = tpu.memref_slice %arg6[%dma_wait3A_55] : memref<6656xi32, #tpu.memory_space<vmem>> -> memref<1664xi32, #tpu.memory_space<vmem>>
    %dma_wait3A_57 = arith.constant 0 : i32
    %dma_wait3A_58 = tpu.memref_slice %arg11[%dma_wait3A_57] : memref<100000xf32, #tpu.memory_space<vmem_shared>> -> memref<100000xf32, #tpu.memory_space<vmem_shared>>
    tpu.wait_indirect_dma semaphore(%arg14 : memref<!tpu.dma_semaphore, #tpu.memory_space<semaphore_mem>>) src(%dma_wait3A_58 : memref<100000xf32, #tpu.memory_space<vmem_shared>>) dst(%dma_wait3A_54 : memref<1664xf32, #tpu.memory_space<vmem>>)
    %scan3A_59 = arith.constant 0 : i32
    %scan3A_60 = arith.constant 16 : i32
    %scan3A_61 = arith.constant 8 : i32
    %scan3A_62 = arith.addi %scan3A_60, %scan3A_61 : i32
    %scan3A_63 = arith.constant 1 : i32
    scf.for %scan3A_79 = %scan3A_60 to %scan3A_62 step %scan3A_63  : i32 {
      %mul3A_80 = arith.constant 208 : i32
      %mul3A_81 = arith.muli %scan3A_79, %mul3A_80 : i32
      %add3A_82 = arith.constant 0 : i32
      %add3A_83 = arith.addi %mul3A_81, %add3A_82 : i32
      %get3A_84 = arith.index_cast %add3A_83 : i32 to index
      %get3A_85 = tpu.vector_load %arg6[%get3A_84] {strides = array<i32>} : memref<6656xi32, #tpu.memory_space<vmem>>, vector<16xi32>,
      %add3A_86 = arith.constant 0 : i32
      %add3A_87 = arith.addi %mul3A_81, %add3A_86 : i32
      %add3A_88 = vector.broadcast %add3A_87 : i32 to vector<16xi32>
      %add3A_89 = arith.addi %iota3A, %add3A_88 : vector<16xi32>
      tpu.vector_store_idx %arg8[%get3A_85], %add3A_89 : memref<100000xi32, #tpu.memory_space<vmem>>[vector<16xi32>], vector<16xi32>,
      %add3A_90 = arith.constant 16 : i32
      %add3A_91 = arith.addi %mul3A_81, %add3A_90 : i32
      %get3A_92 = arith.index_cast %add3A_91 : i32 to index
      %get3A_93 = tpu.vector_load %arg6[%get3A_92] {strides = array<i32>} : memref<6656xi32, #tpu.memory_space<vmem>>, vector<16xi32>,
      %add3A_94 = arith.constant 16 : i32
      %add3A_95 = arith.addi %mul3A_81, %add3A_94 : i32
      %add3A_96 = vector.broadcast %add3A_95 : i32 to vector<16xi32>
      %add3A_97 = arith.addi %iota3A, %add3A_96 : vector<16xi32>
      tpu.vector_store_idx %arg8[%get3A_93], %add3A_97 : memref<100000xi32, #tpu.memory_space<vmem>>[vector<16xi32>], vector<16xi32>,
      %add3A_98 = arith.constant 32 : i32
      %add3A_99 = arith.addi %mul3A_81, %add3A_98 : i32
      %get3A_100 = arith.index_cast %add3A_99 : i32 to index
      %get3A_101 = tpu.vector_load %arg6[%get3A_100] {strides = array<i32>} : memref<6656xi32, #tpu.memory_space<vmem>>, vector<16xi32>,
      %add3A_102 = arith.constant 32 : i32
      %add3A_103 = arith.addi %mul3A_81, %add3A_102 : i32
      %add3A_104 = vector.broadcast %add3A_103 : i32 to vector<16xi32>
      %add3A_105 = arith.addi %iota3A, %add3A_104 : vector<16xi32>
      tpu.vector_store_idx %arg8[%get3A_101], %add3A_105 : memref<100000xi32, #tpu.memory_space<vmem>>[vector<16xi32>], vector<16xi32>,
      %add3A_106 = arith.constant 48 : i32
      %add3A_107 = arith.addi %mul3A_81, %add3A_106 : i32
      %get3A_108 = arith.index_cast %add3A_107 : i32 to index
      %get3A_109 = tpu.vector_load %arg6[%get3A_108] {strides = array<i32>} : memref<6656xi32, #tpu.memory_space<vmem>>, vector<16xi32>,
      %add3A_110 = arith.constant 48 : i32
      %add3A_111 = arith.addi %mul3A_81, %add3A_110 : i32
      %add3A_112 = vector.broadcast %add3A_111 : i32 to vector<16xi32>
      %add3A_113 = arith.addi %iota3A, %add3A_112 : vector<16xi32>
      tpu.vector_store_idx %arg8[%get3A_109], %add3A_113 : memref<100000xi32, #tpu.memory_space<vmem>>[vector<16xi32>], vector<16xi32>,
      %add3A_114 = arith.constant 64 : i32
      %add3A_115 = arith.addi %mul3A_81, %add3A_114 : i32
      %get3A_116 = arith.index_cast %add3A_115 : i32 to index
      %get3A_117 = tpu.vector_load %arg6[%get3A_116] {strides = array<i32>} : memref<6656xi32, #tpu.memory_space<vmem>>, vector<16xi32>,
      %add3A_118 = arith.constant 64 : i32
      %add3A_119 = arith.addi %mul3A_81, %add3A_118 : i32
      %add3A_120 = vector.broadcast %add3A_119 : i32 to vector<16xi32>
      %add3A_121 = arith.addi %iota3A, %add3A_120 : vector<16xi32>
      tpu.vector_store_idx %arg8[%get3A_117], %add3A_121 : memref<100000xi32, #tpu.memory_space<vmem>>[vector<16xi32>], vector<16xi32>,
      %add3A_122 = arith.constant 80 : i32
      %add3A_123 = arith.addi %mul3A_81, %add3A_122 : i32
      %get3A_124 = arith.index_cast %add3A_123 : i32 to index
      %get3A_125 = tpu.vector_load %arg6[%get3A_124] {strides = array<i32>} : memref<6656xi32, #tpu.memory_space<vmem>>, vector<16xi32>,
      %add3A_126 = arith.constant 80 : i32
      %add3A_127 = arith.addi %mul3A_81, %add3A_126 : i32
      %add3A_128 = vector.broadcast %add3A_127 : i32 to vector<16xi32>
      %add3A_129 = arith.addi %iota3A, %add3A_128 : vector<16xi32>
      tpu.vector_store_idx %arg8[%get3A_125], %add3A_129 : memref<100000xi32, #tpu.memory_space<vmem>>[vector<16xi32>], vector<16xi32>,
      %add3A_130 = arith.constant 96 : i32
      %add3A_131 = arith.addi %mul3A_81, %add3A_130 : i32
      %get3A_132 = arith.index_cast %add3A_131 : i32 to index
      %get3A_133 = tpu.vector_load %arg6[%get3A_132] {strides = array<i32>} : memref<6656xi32, #tpu.memory_space<vmem>>, vector<16xi32>,
      %add3A_134 = arith.constant 96 : i32
      %add3A_135 = arith.addi %mul3A_81, %add3A_134 : i32
      %add3A_136 = vector.broadcast %add3A_135 : i32 to vector<16xi32>
      %add3A_137 = arith.addi %iota3A, %add3A_136 : vector<16xi32>
      tpu.vector_store_idx %arg8[%get3A_133], %add3A_137 : memref<100000xi32, #tpu.memory_space<vmem>>[vector<16xi32>], vector<16xi32>,
      %add3A_138 = arith.constant 112 : i32
      %add3A_139 = arith.addi %mul3A_81, %add3A_138 : i32
      %get3A_140 = arith.index_cast %add3A_139 : i32 to index
      %get3A_141 = tpu.vector_load %arg6[%get3A_140] {strides = array<i32>} : memref<6656xi32, #tpu.memory_space<vmem>>, vector<16xi32>,
      %add3A_142 = arith.constant 112 : i32
      %add3A_143 = arith.addi %mul3A_81, %add3A_142 : i32
      %add3A_144 = vector.broadcast %add3A_143 : i32 to vector<16xi32>
      %add3A_145 = arith.addi %iota3A, %add3A_144 : vector<16xi32>
      tpu.vector_store_idx %arg8[%get3A_141], %add3A_145 : memref<100000xi32, #tpu.memory_space<vmem>>[vector<16xi32>], vector<16xi32>,
      %add3A_146 = arith.constant 128 : i32
      %add3A_147 = arith.addi %mul3A_81, %add3A_146 : i32
      %get3A_148 = arith.index_cast %add3A_147 : i32 to index
      %get3A_149 = tpu.vector_load %arg6[%get3A_148] {strides = array<i32>} : memref<6656xi32, #tpu.memory_space<vmem>>, vector<16xi32>,
      %add3A_150 = arith.constant 128 : i32
      %add3A_151 = arith.addi %mul3A_81, %add3A_150 : i32
      %add3A_152 = vector.broadcast %add3A_151 : i32 to vector<16xi32>
      %add3A_153 = arith.addi %iota3A, %add3A_152 : vector<16xi32>
      tpu.vector_store_idx %arg8[%get3A_149], %add3A_153 : memref<100000xi32, #tpu.memory_space<vmem>>[vector<16xi32>], vector<16xi32>,
      %add3A_154 = arith.constant 144 : i32
      %add3A_155 = arith.addi %mul3A_81, %add3A_154 : i32
      %get3A_156 = arith.index_cast %add3A_155 : i32 to index
      %get3A_157 = tpu.vector_load %arg6[%get3A_156] {strides = array<i32>} : memref<6656xi32, #tpu.memory_space<vmem>>, vector<16xi32>,
      %add3A_158 = arith.constant 144 : i32
      %add3A_159 = arith.addi %mul3A_81, %add3A_158 : i32
      %add3A_160 = vector.broadcast %add3A_159 : i32 to vector<16xi32>
      %add3A_161 = arith.addi %iota3A, %add3A_160 : vector<16xi32>
      tpu.vector_store_idx %arg8[%get3A_157], %add3A_161 : memref<100000xi32, #tpu.memory_space<vmem>>[vector<16xi32>], vector<16xi32>,
      %add3A_162 = arith.constant 160 : i32
      %add3A_163 = arith.addi %mul3A_81, %add3A_162 : i32
      %get3A_164 = arith.index_cast %add3A_163 : i32 to index
      %get3A_165 = tpu.vector_load %arg6[%get3A_164] {strides = array<i32>} : memref<6656xi32, #tpu.memory_space<vmem>>, vector<16xi32>,
      %add3A_166 = arith.constant 160 : i32
      %add3A_167 = arith.addi %mul3A_81, %add3A_166 : i32
      %add3A_168 = vector.broadcast %add3A_167 : i32 to vector<16xi32>
      %add3A_169 = arith.addi %iota3A, %add3A_168 : vector<16xi32>
      tpu.vector_store_idx %arg8[%get3A_165], %add3A_169 : memref<100000xi32, #tpu.memory_space<vmem>>[vector<16xi32>], vector<16xi32>,
      %add3A_170 = arith.constant 176 : i32
      %add3A_171 = arith.addi %mul3A_81, %add3A_170 : i32
      %get3A_172 = arith.index_cast %add3A_171 : i32 to index
      %get3A_173 = tpu.vector_load %arg6[%get3A_172] {strides = array<i32>} : memref<6656xi32, #tpu.memory_space<vmem>>, vector<16xi32>,
      %add3A_174 = arith.constant 176 : i32
      %add3A_175 = arith.addi %mul3A_81, %add3A_174 : i32
      %add3A_176 = vector.broadcast %add3A_175 : i32 to vector<16xi32>
      %add3A_177 = arith.addi %iota3A, %add3A_176 : vector<16xi32>
      tpu.vector_store_idx %arg8[%get3A_173], %add3A_177 : memref<100000xi32, #tpu.memory_space<vmem>>[vector<16xi32>], vector<16xi32>,
      %add3A_178 = arith.constant 192 : i32
      %add3A_179 = arith.addi %mul3A_81, %add3A_178 : i32
      %get3A_180 = arith.index_cast %add3A_179 : i32 to index
      %get3A_181 = tpu.vector_load %arg6[%get3A_180] {strides = array<i32>} : memref<6656xi32, #tpu.memory_space<vmem>>, vector<16xi32>,
      %add3A_182 = arith.constant 192 : i32
      %add3A_183 = arith.addi %mul3A_81, %add3A_182 : i32
      %add3A_184 = vector.broadcast %add3A_183 : i32 to vector<16xi32>
      %add3A_185 = arith.addi %iota3A, %add3A_184 : vector<16xi32>
      tpu.vector_store_idx %arg8[%get3A_181], %add3A_185 masked %lt3A_29 : memref<100000xi32, #tpu.memory_space<vmem>>[vector<16xi32>], vector<16xi32>, vector<16xi1>
      %broadcast_in_dim3A = arith.constant 0.000000e+00 : f32
      %broadcast_in_dim3A_186 = vector.broadcast %broadcast_in_dim3A : f32 to vector<16xf32>
      %add3A_187 = arith.constant 0 : i32
      %add3A_188 = arith.addi %mul3A_81, %add3A_187 : i32
      %add3A_189 = vector.broadcast %add3A_188 : i32 to vector<16xi32>
      %add3A_190 = arith.addi %iota3A, %add3A_189 : vector<16xi32>
      %gather3A = tpu.vector_load_idx %arg8[%get3A_85] : memref<100000xi32, #tpu.memory_space<vmem>>[vector<16xi32>], vector<16xi32>,
      %add3A_191 = arith.constant 0 : i32
      %add3A_192 = arith.addi %mul3A_81, %add3A_191 : i32
      %get3A_193 = arith.index_cast %add3A_192 : i32 to index
      %get3A_194 = tpu.vector_load %arg7[%get3A_193] {strides = array<i32>} : memref<6656xf32, #tpu.memory_space<vmem>>, vector<16xf32>,
      %eq3A_195 = arith.cmpi eq, %gather3A, %add3A_190 : vector<16xi32>
      %jit3A = arith.constant 0.000000e+00 : f32
      %broadcast_in_dim3A_196 = vector.broadcast %jit3A : f32 to vector<16xf32>
      %select_n3A = arith.select %eq3A_195, %get3A_194, %broadcast_in_dim3A_196 : vector<16xi1>, vector<16xf32>
      %add3A_197 = arith.addf %broadcast_in_dim3A_186, %select_n3A : vector<16xf32>
      %add3A_198 = arith.constant 16 : i32
      %add3A_199 = arith.addi %mul3A_81, %add3A_198 : i32
      %add3A_200 = vector.broadcast %add3A_199 : i32 to vector<16xi32>
      %add3A_201 = arith.addi %iota3A, %add3A_200 : vector<16xi32>
      %gather3A_202 = tpu.vector_load_idx %arg8[%get3A_93] : memref<100000xi32, #tpu.memory_space<vmem>>[vector<16xi32>], vector<16xi32>,
      %add3A_203 = arith.constant 16 : i32
      %add3A_204 = arith.addi %mul3A_81, %add3A_203 : i32
      %get3A_205 = arith.index_cast %add3A_204 : i32 to index
      %get3A_206 = tpu.vector_load %arg7[%get3A_205] {strides = array<i32>} : memref<6656xf32, #tpu.memory_space<vmem>>, vector<16xf32>,
      %eq3A_207 = arith.cmpi eq, %gather3A_202, %add3A_201 : vector<16xi32>
      %jit3A_208 = arith.constant 0.000000e+00 : f32
      %broadcast_in_dim3A_209 = vector.broadcast %jit3A_208 : f32 to vector<16xf32>
      %select_n3A_210 = arith.select %eq3A_207, %get3A_206, %broadcast_in_dim3A_209 : vector<16xi1>, vector<16xf32>
      %add3A_211 = arith.addf %add3A_197, %select_n3A_210 : vector<16xf32>
      %add3A_212 = arith.constant 32 : i32
      %add3A_213 = arith.addi %mul3A_81, %add3A_212 : i32
      %add3A_214 = vector.broadcast %add3A_213 : i32 to vector<16xi32>
      %add3A_215 = arith.addi %iota3A, %add3A_214 : vector<16xi32>
      %gather3A_216 = tpu.vector_load_idx %arg8[%get3A_101] : memref<100000xi32, #tpu.memory_space<vmem>>[vector<16xi32>], vector<16xi32>,
      %add3A_217 = arith.constant 32 : i32
      %add3A_218 = arith.addi %mul3A_81, %add3A_217 : i32
      %get3A_219 = arith.index_cast %add3A_218 : i32 to index
      %get3A_220 = tpu.vector_load %arg7[%get3A_219] {strides = array<i32>} : memref<6656xf32, #tpu.memory_space<vmem>>, vector<16xf32>,
      %eq3A_221 = arith.cmpi eq, %gather3A_216, %add3A_215 : vector<16xi32>
      %jit3A_222 = arith.constant 0.000000e+00 : f32
      %broadcast_in_dim3A_223 = vector.broadcast %jit3A_222 : f32 to vector<16xf32>
      %select_n3A_224 = arith.select %eq3A_221, %get3A_220, %broadcast_in_dim3A_223 : vector<16xi1>, vector<16xf32>
      %add3A_225 = arith.addf %add3A_211, %select_n3A_224 : vector<16xf32>
      %add3A_226 = arith.constant 48 : i32
      %add3A_227 = arith.addi %mul3A_81, %add3A_226 : i32
      %add3A_228 = vector.broadcast %add3A_227 : i32 to vector<16xi32>
      %add3A_229 = arith.addi %iota3A, %add3A_228 : vector<16xi32>
      %gather3A_230 = tpu.vector_load_idx %arg8[%get3A_109] : memref<100000xi32, #tpu.memory_space<vmem>>[vector<16xi32>], vector<16xi32>,
      %add3A_231 = arith.constant 48 : i32
      %add3A_232 = arith.addi %mul3A_81, %add3A_231 : i32
      %get3A_233 = arith.index_cast %add3A_232 : i32 to index
      %get3A_234 = tpu.vector_load %arg7[%get3A_233] {strides = array<i32>} : memref<6656xf32, #tpu.memory_space<vmem>>, vector<16xf32>,
      %eq3A_235 = arith.cmpi eq, %gather3A_230, %add3A_229 : vector<16xi32>
      %jit3A_236 = arith.constant 0.000000e+00 : f32
      %broadcast_in_dim3A_237 = vector.broadcast %jit3A_236 : f32 to vector<16xf32>
      %select_n3A_238 = arith.select %eq3A_235, %get3A_234, %broadcast_in_dim3A_237 : vector<16xi1>, vector<16xf32>
      %add3A_239 = arith.addf %add3A_225, %select_n3A_238 : vector<16xf32>
      %add3A_240 = arith.constant 64 : i32
      %add3A_241 = arith.addi %mul3A_81, %add3A_240 : i32
      %add3A_242 = vector.broadcast %add3A_241 : i32 to vector<16xi32>
      %add3A_243 = arith.addi %iota3A, %add3A_242 : vector<16xi32>
      %gather3A_244 = tpu.vector_load_idx %arg8[%get3A_117] : memref<100000xi32, #tpu.memory_space<vmem>>[vector<16xi32>], vector<16xi32>,
      %add3A_245 = arith.constant 64 : i32
      %add3A_246 = arith.addi %mul3A_81, %add3A_245 : i32
      %get3A_247 = arith.index_cast %add3A_246 : i32 to index
      %get3A_248 = tpu.vector_load %arg7[%get3A_247] {strides = array<i32>} : memref<6656xf32, #tpu.memory_space<vmem>>, vector<16xf32>,
      %eq3A_249 = arith.cmpi eq, %gather3A_244, %add3A_243 : vector<16xi32>
      %jit3A_250 = arith.constant 0.000000e+00 : f32
      %broadcast_in_dim3A_251 = vector.broadcast %jit3A_250 : f32 to vector<16xf32>
      %select_n3A_252 = arith.select %eq3A_249, %get3A_248, %broadcast_in_dim3A_251 : vector<16xi1>, vector<16xf32>
      %add3A_253 = arith.addf %add3A_239, %select_n3A_252 : vector<16xf32>
      %add3A_254 = arith.constant 80 : i32
      %add3A_255 = arith.addi %mul3A_81, %add3A_254 : i32
      %add3A_256 = vector.broadcast %add3A_255 : i32 to vector<16xi32>
      %add3A_257 = arith.addi %iota3A, %add3A_256 : vector<16xi32>
      %gather3A_258 = tpu.vector_load_idx %arg8[%get3A_125] : memref<100000xi32, #tpu.memory_space<vmem>>[vector<16xi32>], vector<16xi32>,
      %add3A_259 = arith.constant 80 : i32
      %add3A_260 = arith.addi %mul3A_81, %add3A_259 : i32
      %get3A_261 = arith.index_cast %add3A_260 : i32 to index
      %get3A_262 = tpu.vector_load %arg7[%get3A_261] {strides = array<i32>} : memref<6656xf32, #tpu.memory_space<vmem>>, vector<16xf32>,
      %eq3A_263 = arith.cmpi eq, %gather3A_258, %add3A_257 : vector<16xi32>
      %jit3A_264 = arith.constant 0.000000e+00 : f32
      %broadcast_in_dim3A_265 = vector.broadcast %jit3A_264 : f32 to vector<16xf32>
      %select_n3A_266 = arith.select %eq3A_263, %get3A_262, %broadcast_in_dim3A_265 : vector<16xi1>, vector<16xf32>
      %add3A_267 = arith.addf %add3A_253, %select_n3A_266 : vector<16xf32>
      %add3A_268 = arith.constant 96 : i32
      %add3A_269 = arith.addi %mul3A_81, %add3A_268 : i32
      %add3A_270 = vector.broadcast %add3A_269 : i32 to vector<16xi32>
      %add3A_271 = arith.addi %iota3A, %add3A_270 : vector<16xi32>
      %gather3A_272 = tpu.vector_load_idx %arg8[%get3A_133] : memref<100000xi32, #tpu.memory_space<vmem>>[vector<16xi32>], vector<16xi32>,
      %add3A_273 = arith.constant 96 : i32
      %add3A_274 = arith.addi %mul3A_81, %add3A_273 : i32
      %get3A_275 = arith.index_cast %add3A_274 : i32 to index
      %get3A_276 = tpu.vector_load %arg7[%get3A_275] {strides = array<i32>} : memref<6656xf32, #tpu.memory_space<vmem>>, vector<16xf32>,
      %eq3A_277 = arith.cmpi eq, %gather3A_272, %add3A_271 : vector<16xi32>
      %jit3A_278 = arith.constant 0.000000e+00 : f32
      %broadcast_in_dim3A_279 = vector.broadcast %jit3A_278 : f32 to vector<16xf32>
      %select_n3A_280 = arith.select %eq3A_277, %get3A_276, %broadcast_in_dim3A_279 : vector<16xi1>, vector<16xf32>
      %add3A_281 = arith.addf %add3A_267, %select_n3A_280 : vector<16xf32>
      %add3A_282 = arith.constant 112 : i32
      %add3A_283 = arith.addi %mul3A_81, %add3A_282 : i32
      %add3A_284 = vector.broadcast %add3A_283 : i32 to vector<16xi32>
      %add3A_285 = arith.addi %iota3A, %add3A_284 : vector<16xi32>
      %gather3A_286 = tpu.vector_load_idx %arg8[%get3A_141] : memref<100000xi32, #tpu.memory_space<vmem>>[vector<16xi32>], vector<16xi32>,
      %add3A_287 = arith.constant 112 : i32
      %add3A_288 = arith.addi %mul3A_81, %add3A_287 : i32
      %get3A_289 = arith.index_cast %add3A_288 : i32 to index
      %get3A_290 = tpu.vector_load %arg7[%get3A_289] {strides = array<i32>} : memref<6656xf32, #tpu.memory_space<vmem>>, vector<16xf32>,
      %eq3A_291 = arith.cmpi eq, %gather3A_286, %add3A_285 : vector<16xi32>
      %jit3A_292 = arith.constant 0.000000e+00 : f32
      %broadcast_in_dim3A_293 = vector.broadcast %jit3A_292 : f32 to vector<16xf32>
      %select_n3A_294 = arith.select %eq3A_291, %get3A_290, %broadcast_in_dim3A_293 : vector<16xi1>, vector<16xf32>
      %add3A_295 = arith.addf %add3A_281, %select_n3A_294 : vector<16xf32>
      %add3A_296 = arith.constant 128 : i32
      %add3A_297 = arith.addi %mul3A_81, %add3A_296 : i32
      %add3A_298 = vector.broadcast %add3A_297 : i32 to vector<16xi32>
      %add3A_299 = arith.addi %iota3A, %add3A_298 : vector<16xi32>
      %gather3A_300 = tpu.vector_load_idx %arg8[%get3A_149] : memref<100000xi32, #tpu.memory_space<vmem>>[vector<16xi32>], vector<16xi32>,
      %add3A_301 = arith.constant 128 : i32
      %add3A_302 = arith.addi %mul3A_81, %add3A_301 : i32
      %get3A_303 = arith.index_cast %add3A_302 : i32 to index
      %get3A_304 = tpu.vector_load %arg7[%get3A_303] {strides = array<i32>} : memref<6656xf32, #tpu.memory_space<vmem>>, vector<16xf32>,
      %eq3A_305 = arith.cmpi eq, %gather3A_300, %add3A_299 : vector<16xi32>
      %jit3A_306 = arith.constant 0.000000e+00 : f32
      %broadcast_in_dim3A_307 = vector.broadcast %jit3A_306 : f32 to vector<16xf32>
      %select_n3A_308 = arith.select %eq3A_305, %get3A_304, %broadcast_in_dim3A_307 : vector<16xi1>, vector<16xf32>
      %add3A_309 = arith.addf %add3A_295, %select_n3A_308 : vector<16xf32>
      %add3A_310 = arith.constant 144 : i32
      %add3A_311 = arith.addi %mul3A_81, %add3A_310 : i32
      %add3A_312 = vector.broadcast %add3A_311 : i32 to vector<16xi32>
      %add3A_313 = arith.addi %iota3A, %add3A_312 : vector<16xi32>
      %gather3A_314 = tpu.vector_load_idx %arg8[%get3A_157] : memref<100000xi32, #tpu.memory_space<vmem>>[vector<16xi32>], vector<16xi32>,
      %add3A_315 = arith.constant 144 : i32
      %add3A_316 = arith.addi %mul3A_81, %add3A_315 : i32
      %get3A_317 = arith.index_cast %add3A_316 : i32 to index
      %get3A_318 = tpu.vector_load %arg7[%get3A_317] {strides = array<i32>} : memref<6656xf32, #tpu.memory_space<vmem>>, vector<16xf32>,
      %eq3A_319 = arith.cmpi eq, %gather3A_314, %add3A_313 : vector<16xi32>
      %jit3A_320 = arith.constant 0.000000e+00 : f32
      %broadcast_in_dim3A_321 = vector.broadcast %jit3A_320 : f32 to vector<16xf32>
      %select_n3A_322 = arith.select %eq3A_319, %get3A_318, %broadcast_in_dim3A_321 : vector<16xi1>, vector<16xf32>
      %add3A_323 = arith.addf %add3A_309, %select_n3A_322 : vector<16xf32>
      %add3A_324 = arith.constant 160 : i32
      %add3A_325 = arith.addi %mul3A_81, %add3A_324 : i32
      %add3A_326 = vector.broadcast %add3A_325 : i32 to vector<16xi32>
      %add3A_327 = arith.addi %iota3A, %add3A_326 : vector<16xi32>
      %gather3A_328 = tpu.vector_load_idx %arg8[%get3A_165] : memref<100000xi32, #tpu.memory_space<vmem>>[vector<16xi32>], vector<16xi32>,
      %add3A_329 = arith.constant 160 : i32
      %add3A_330 = arith.addi %mul3A_81, %add3A_329 : i32
      %get3A_331 = arith.index_cast %add3A_330 : i32 to index
      %get3A_332 = tpu.vector_load %arg7[%get3A_331] {strides = array<i32>} : memref<6656xf32, #tpu.memory_space<vmem>>, vector<16xf32>,
      %eq3A_333 = arith.cmpi eq, %gather3A_328, %add3A_327 : vector<16xi32>
      %jit3A_334 = arith.constant 0.000000e+00 : f32
      %broadcast_in_dim3A_335 = vector.broadcast %jit3A_334 : f32 to vector<16xf32>
      %select_n3A_336 = arith.select %eq3A_333, %get3A_332, %broadcast_in_dim3A_335 : vector<16xi1>, vector<16xf32>
      %add3A_337 = arith.addf %add3A_323, %select_n3A_336 : vector<16xf32>
      %add3A_338 = arith.constant 176 : i32
      %add3A_339 = arith.addi %mul3A_81, %add3A_338 : i32
      %add3A_340 = vector.broadcast %add3A_339 : i32 to vector<16xi32>
      %add3A_341 = arith.addi %iota3A, %add3A_340 : vector<16xi32>
      %gather3A_342 = tpu.vector_load_idx %arg8[%get3A_173] : memref<100000xi32, #tpu.memory_space<vmem>>[vector<16xi32>], vector<16xi32>,
      %add3A_343 = arith.constant 176 : i32
      %add3A_344 = arith.addi %mul3A_81, %add3A_343 : i32
      %get3A_345 = arith.index_cast %add3A_344 : i32 to index
      %get3A_346 = tpu.vector_load %arg7[%get3A_345] {strides = array<i32>} : memref<6656xf32, #tpu.memory_space<vmem>>, vector<16xf32>,
      %eq3A_347 = arith.cmpi eq, %gather3A_342, %add3A_341 : vector<16xi32>
      %jit3A_348 = arith.constant 0.000000e+00 : f32
      %broadcast_in_dim3A_349 = vector.broadcast %jit3A_348 : f32 to vector<16xf32>
      %select_n3A_350 = arith.select %eq3A_347, %get3A_346, %broadcast_in_dim3A_349 : vector<16xi1>, vector<16xf32>
      %add3A_351 = arith.addf %add3A_337, %select_n3A_350 : vector<16xf32>
      %add3A_352 = arith.constant 192 : i32
      %add3A_353 = arith.addi %mul3A_81, %add3A_352 : i32
      %add3A_354 = vector.broadcast %add3A_353 : i32 to vector<16xi32>
      %add3A_355 = arith.addi %iota3A, %add3A_354 : vector<16xi32>
      %gather3A_356 = tpu.vector_load_idx %arg8[%get3A_181] : memref<100000xi32, #tpu.memory_space<vmem>>[vector<16xi32>], vector<16xi32>,
      %add3A_357 = arith.constant 192 : i32
      %add3A_358 = arith.addi %mul3A_81, %add3A_357 : i32
      %get3A_359 = arith.index_cast %add3A_358 : i32 to index
      %get3A_360 = tpu.vector_load %arg7[%get3A_359] {strides = array<i32>} : memref<6656xf32, #tpu.memory_space<vmem>>, vector<16xf32>,
      %eq3A_361 = arith.cmpi eq, %gather3A_356, %add3A_355 : vector<16xi32>
      %and3A = arith.andi %eq3A_361, %lt3A_29 : vector<16xi1>
      %jit3A_362 = arith.constant 0.000000e+00 : f32
      %broadcast_in_dim3A_363 = vector.broadcast %jit3A_362 : f32 to vector<16xf32>
      %select_n3A_364 = arith.select %and3A, %get3A_360, %broadcast_in_dim3A_363 : vector<16xi1>, vector<16xf32>
      %add3A_365 = arith.addf %add3A_351, %select_n3A_364 : vector<16xf32>
      %reduce_sum3A = arith.constant true
      %reduce_sum3A_366 = vector.broadcast %reduce_sum3A : i1 to vector<16xi1>
      %reduce_sum3A_367 = tpu.scan <sum>, %add3A_365 masked %reduce_sum3A_366 : vector<16xf32>, vector<16xi1> -> vector<16xf32>
      %reduce_sum3A_368 = vector.extract %reduce_sum3A_367[15] : f32 from vector<16xf32>
      %broadcast_in_dim3A_369 = vector.broadcast %reduce_sum3A_368 : f32 to vector<16xf32>
      %add3A_370 = arith.addf %broadcast_in_dim3A_369, %get3A_30 : vector<16xf32>
      %broadcast_in_dim3A_371 = vector.broadcast %scan3A_79 : i32 to vector<16xi32>
      %eq3A_372 = arith.constant 0 : i32
      %eq3A_373 = vector.broadcast %eq3A_372 : i32 to vector<16xi32>
      %eq3A_374 = arith.cmpi eq, %iota3A, %eq3A_373 : vector<16xi32>
      tpu.vector_store_idx %arg9[%broadcast_in_dim3A_371], %add3A_370 masked %eq3A_374 : memref<32xf32, #tpu.memory_space<vmem>>[vector<16xi32>], vector<16xf32>, vector<16xi1>
    }
    %scan3A_64 = arith.constant 8 : i32
    %dma_wait3A_65 = arith.constant 4992 : i32
    %dma_wait3A_66 = tpu.memref_slice %arg7[%dma_wait3A_65] : memref<6656xf32, #tpu.memory_space<vmem>> -> memref<1664xf32, #tpu.memory_space<vmem>>
    %dma_wait3A_67 = arith.constant 4992 : i32
    %dma_wait3A_68 = tpu.memref_slice %arg6[%dma_wait3A_67] : memref<6656xi32, #tpu.memory_space<vmem>> -> memref<1664xi32, #tpu.memory_space<vmem>>
    %dma_wait3A_69 = arith.constant 0 : i32
    %dma_wait3A_70 = tpu.memref_slice %arg11[%dma_wait3A_69] : memref<100000xf32, #tpu.memory_space<vmem_shared>> -> memref<100000xf32, #tpu.memory_space<vmem_shared>>
    tpu.wait_indirect_dma semaphore(%arg15 : memref<!tpu.dma_semaphore, #tpu.memory_space<semaphore_mem>>) src(%dma_wait3A_70 : memref<100000xf32, #tpu.memory_space<vmem_shared>>) dst(%dma_wait3A_66 : memref<1664xf32, #tpu.memory_space<vmem>>)
    %scan3A_71 = arith.constant 0 : i32
    %scan3A_72 = arith.constant 24 : i32
    %scan3A_73 = arith.constant 8 : i32
    %scan3A_74 = arith.addi %scan3A_72, %scan3A_73 : i32
    %scan3A_75 = arith.constant 1 : i32
    scf.for %scan3A_79 = %scan3A_72 to %scan3A_74 step %scan3A_75  : i32 {
      %mul3A_80 = arith.constant 208 : i32
      %mul3A_81 = arith.muli %scan3A_79, %mul3A_80 : i32
      %add3A_82 = arith.constant 0 : i32
      %add3A_83 = arith.addi %mul3A_81, %add3A_82 : i32
      %get3A_84 = arith.index_cast %add3A_83 : i32 to index
      %get3A_85 = tpu.vector_load %arg6[%get3A_84] {strides = array<i32>} : memref<6656xi32, #tpu.memory_space<vmem>>, vector<16xi32>,
      %add3A_86 = arith.constant 0 : i32
      %add3A_87 = arith.addi %mul3A_81, %add3A_86 : i32
      %add3A_88 = vector.broadcast %add3A_87 : i32 to vector<16xi32>
      %add3A_89 = arith.addi %iota3A, %add3A_88 : vector<16xi32>
      tpu.vector_store_idx %arg8[%get3A_85], %add3A_89 : memref<100000xi32, #tpu.memory_space<vmem>>[vector<16xi32>], vector<16xi32>,
      %add3A_90 = arith.constant 16 : i32
      %add3A_91 = arith.addi %mul3A_81, %add3A_90 : i32
      %get3A_92 = arith.index_cast %add3A_91 : i32 to index
      %get3A_93 = tpu.vector_load %arg6[%get3A_92] {strides = array<i32>} : memref<6656xi32, #tpu.memory_space<vmem>>, vector<16xi32>,
      %add3A_94 = arith.constant 16 : i32
      %add3A_95 = arith.addi %mul3A_81, %add3A_94 : i32
      %add3A_96 = vector.broadcast %add3A_95 : i32 to vector<16xi32>
      %add3A_97 = arith.addi %iota3A, %add3A_96 : vector<16xi32>
      tpu.vector_store_idx %arg8[%get3A_93], %add3A_97 : memref<100000xi32, #tpu.memory_space<vmem>>[vector<16xi32>], vector<16xi32>,
      %add3A_98 = arith.constant 32 : i32
      %add3A_99 = arith.addi %mul3A_81, %add3A_98 : i32
      %get3A_100 = arith.index_cast %add3A_99 : i32 to index
      %get3A_101 = tpu.vector_load %arg6[%get3A_100] {strides = array<i32>} : memref<6656xi32, #tpu.memory_space<vmem>>, vector<16xi32>,
      %add3A_102 = arith.constant 32 : i32
      %add3A_103 = arith.addi %mul3A_81, %add3A_102 : i32
      %add3A_104 = vector.broadcast %add3A_103 : i32 to vector<16xi32>
      %add3A_105 = arith.addi %iota3A, %add3A_104 : vector<16xi32>
      tpu.vector_store_idx %arg8[%get3A_101], %add3A_105 : memref<100000xi32, #tpu.memory_space<vmem>>[vector<16xi32>], vector<16xi32>,
      %add3A_106 = arith.constant 48 : i32
      %add3A_107 = arith.addi %mul3A_81, %add3A_106 : i32
      %get3A_108 = arith.index_cast %add3A_107 : i32 to index
      %get3A_109 = tpu.vector_load %arg6[%get3A_108] {strides = array<i32>} : memref<6656xi32, #tpu.memory_space<vmem>>, vector<16xi32>,
      %add3A_110 = arith.constant 48 : i32
      %add3A_111 = arith.addi %mul3A_81, %add3A_110 : i32
      %add3A_112 = vector.broadcast %add3A_111 : i32 to vector<16xi32>
      %add3A_113 = arith.addi %iota3A, %add3A_112 : vector<16xi32>
      tpu.vector_store_idx %arg8[%get3A_109], %add3A_113 : memref<100000xi32, #tpu.memory_space<vmem>>[vector<16xi32>], vector<16xi32>,
      %add3A_114 = arith.constant 64 : i32
      %add3A_115 = arith.addi %mul3A_81, %add3A_114 : i32
      %get3A_116 = arith.index_cast %add3A_115 : i32 to index
      %get3A_117 = tpu.vector_load %arg6[%get3A_116] {strides = array<i32>} : memref<6656xi32, #tpu.memory_space<vmem>>, vector<16xi32>,
      %add3A_118 = arith.constant 64 : i32
      %add3A_119 = arith.addi %mul3A_81, %add3A_118 : i32
      %add3A_120 = vector.broadcast %add3A_119 : i32 to vector<16xi32>
      %add3A_121 = arith.addi %iota3A, %add3A_120 : vector<16xi32>
      tpu.vector_store_idx %arg8[%get3A_117], %add3A_121 : memref<100000xi32, #tpu.memory_space<vmem>>[vector<16xi32>], vector<16xi32>,
      %add3A_122 = arith.constant 80 : i32
      %add3A_123 = arith.addi %mul3A_81, %add3A_122 : i32
      %get3A_124 = arith.index_cast %add3A_123 : i32 to index
      %get3A_125 = tpu.vector_load %arg6[%get3A_124] {strides = array<i32>} : memref<6656xi32, #tpu.memory_space<vmem>>, vector<16xi32>,
      %add3A_126 = arith.constant 80 : i32
      %add3A_127 = arith.addi %mul3A_81, %add3A_126 : i32
      %add3A_128 = vector.broadcast %add3A_127 : i32 to vector<16xi32>
      %add3A_129 = arith.addi %iota3A, %add3A_128 : vector<16xi32>
      tpu.vector_store_idx %arg8[%get3A_125], %add3A_129 : memref<100000xi32, #tpu.memory_space<vmem>>[vector<16xi32>], vector<16xi32>,
      %add3A_130 = arith.constant 96 : i32
      %add3A_131 = arith.addi %mul3A_81, %add3A_130 : i32
      %get3A_132 = arith.index_cast %add3A_131 : i32 to index
      %get3A_133 = tpu.vector_load %arg6[%get3A_132] {strides = array<i32>} : memref<6656xi32, #tpu.memory_space<vmem>>, vector<16xi32>,
      %add3A_134 = arith.constant 96 : i32
      %add3A_135 = arith.addi %mul3A_81, %add3A_134 : i32
      %add3A_136 = vector.broadcast %add3A_135 : i32 to vector<16xi32>
      %add3A_137 = arith.addi %iota3A, %add3A_136 : vector<16xi32>
      tpu.vector_store_idx %arg8[%get3A_133], %add3A_137 : memref<100000xi32, #tpu.memory_space<vmem>>[vector<16xi32>], vector<16xi32>,
      %add3A_138 = arith.constant 112 : i32
      %add3A_139 = arith.addi %mul3A_81, %add3A_138 : i32
      %get3A_140 = arith.index_cast %add3A_139 : i32 to index
      %get3A_141 = tpu.vector_load %arg6[%get3A_140] {strides = array<i32>} : memref<6656xi32, #tpu.memory_space<vmem>>, vector<16xi32>,
      %add3A_142 = arith.constant 112 : i32
      %add3A_143 = arith.addi %mul3A_81, %add3A_142 : i32
      %add3A_144 = vector.broadcast %add3A_143 : i32 to vector<16xi32>
      %add3A_145 = arith.addi %iota3A, %add3A_144 : vector<16xi32>
      tpu.vector_store_idx %arg8[%get3A_141], %add3A_145 : memref<100000xi32, #tpu.memory_space<vmem>>[vector<16xi32>], vector<16xi32>,
      %add3A_146 = arith.constant 128 : i32
      %add3A_147 = arith.addi %mul3A_81, %add3A_146 : i32
      %get3A_148 = arith.index_cast %add3A_147 : i32 to index
      %get3A_149 = tpu.vector_load %arg6[%get3A_148] {strides = array<i32>} : memref<6656xi32, #tpu.memory_space<vmem>>, vector<16xi32>,
      %add3A_150 = arith.constant 128 : i32
      %add3A_151 = arith.addi %mul3A_81, %add3A_150 : i32
      %add3A_152 = vector.broadcast %add3A_151 : i32 to vector<16xi32>
      %add3A_153 = arith.addi %iota3A, %add3A_152 : vector<16xi32>
      tpu.vector_store_idx %arg8[%get3A_149], %add3A_153 : memref<100000xi32, #tpu.memory_space<vmem>>[vector<16xi32>], vector<16xi32>,
      %add3A_154 = arith.constant 144 : i32
      %add3A_155 = arith.addi %mul3A_81, %add3A_154 : i32
      %get3A_156 = arith.index_cast %add3A_155 : i32 to index
      %get3A_157 = tpu.vector_load %arg6[%get3A_156] {strides = array<i32>} : memref<6656xi32, #tpu.memory_space<vmem>>, vector<16xi32>,
      %add3A_158 = arith.constant 144 : i32
      %add3A_159 = arith.addi %mul3A_81, %add3A_158 : i32
      %add3A_160 = vector.broadcast %add3A_159 : i32 to vector<16xi32>
      %add3A_161 = arith.addi %iota3A, %add3A_160 : vector<16xi32>
      tpu.vector_store_idx %arg8[%get3A_157], %add3A_161 : memref<100000xi32, #tpu.memory_space<vmem>>[vector<16xi32>], vector<16xi32>,
      %add3A_162 = arith.constant 160 : i32
      %add3A_163 = arith.addi %mul3A_81, %add3A_162 : i32
      %get3A_164 = arith.index_cast %add3A_163 : i32 to index
      %get3A_165 = tpu.vector_load %arg6[%get3A_164] {strides = array<i32>} : memref<6656xi32, #tpu.memory_space<vmem>>, vector<16xi32>,
      %add3A_166 = arith.constant 160 : i32
      %add3A_167 = arith.addi %mul3A_81, %add3A_166 : i32
      %add3A_168 = vector.broadcast %add3A_167 : i32 to vector<16xi32>
      %add3A_169 = arith.addi %iota3A, %add3A_168 : vector<16xi32>
      tpu.vector_store_idx %arg8[%get3A_165], %add3A_169 : memref<100000xi32, #tpu.memory_space<vmem>>[vector<16xi32>], vector<16xi32>,
      %add3A_170 = arith.constant 176 : i32
      %add3A_171 = arith.addi %mul3A_81, %add3A_170 : i32
      %get3A_172 = arith.index_cast %add3A_171 : i32 to index
      %get3A_173 = tpu.vector_load %arg6[%get3A_172] {strides = array<i32>} : memref<6656xi32, #tpu.memory_space<vmem>>, vector<16xi32>,
      %add3A_174 = arith.constant 176 : i32
      %add3A_175 = arith.addi %mul3A_81, %add3A_174 : i32
      %add3A_176 = vector.broadcast %add3A_175 : i32 to vector<16xi32>
      %add3A_177 = arith.addi %iota3A, %add3A_176 : vector<16xi32>
      tpu.vector_store_idx %arg8[%get3A_173], %add3A_177 : memref<100000xi32, #tpu.memory_space<vmem>>[vector<16xi32>], vector<16xi32>,
      %add3A_178 = arith.constant 192 : i32
      %add3A_179 = arith.addi %mul3A_81, %add3A_178 : i32
      %get3A_180 = arith.index_cast %add3A_179 : i32 to index
      %get3A_181 = tpu.vector_load %arg6[%get3A_180] {strides = array<i32>} : memref<6656xi32, #tpu.memory_space<vmem>>, vector<16xi32>,
      %add3A_182 = arith.constant 192 : i32
      %add3A_183 = arith.addi %mul3A_81, %add3A_182 : i32
      %add3A_184 = vector.broadcast %add3A_183 : i32 to vector<16xi32>
      %add3A_185 = arith.addi %iota3A, %add3A_184 : vector<16xi32>
      tpu.vector_store_idx %arg8[%get3A_181], %add3A_185 masked %lt3A_29 : memref<100000xi32, #tpu.memory_space<vmem>>[vector<16xi32>], vector<16xi32>, vector<16xi1>
      %broadcast_in_dim3A = arith.constant 0.000000e+00 : f32
      %broadcast_in_dim3A_186 = vector.broadcast %broadcast_in_dim3A : f32 to vector<16xf32>
      %add3A_187 = arith.constant 0 : i32
      %add3A_188 = arith.addi %mul3A_81, %add3A_187 : i32
      %add3A_189 = vector.broadcast %add3A_188 : i32 to vector<16xi32>
      %add3A_190 = arith.addi %iota3A, %add3A_189 : vector<16xi32>
      %gather3A = tpu.vector_load_idx %arg8[%get3A_85] : memref<100000xi32, #tpu.memory_space<vmem>>[vector<16xi32>], vector<16xi32>,
      %add3A_191 = arith.constant 0 : i32
      %add3A_192 = arith.addi %mul3A_81, %add3A_191 : i32
      %get3A_193 = arith.index_cast %add3A_192 : i32 to index
      %get3A_194 = tpu.vector_load %arg7[%get3A_193] {strides = array<i32>} : memref<6656xf32, #tpu.memory_space<vmem>>, vector<16xf32>,
      %eq3A_195 = arith.cmpi eq, %gather3A, %add3A_190 : vector<16xi32>
      %jit3A = arith.constant 0.000000e+00 : f32
      %broadcast_in_dim3A_196 = vector.broadcast %jit3A : f32 to vector<16xf32>
      %select_n3A = arith.select %eq3A_195, %get3A_194, %broadcast_in_dim3A_196 : vector<16xi1>, vector<16xf32>
      %add3A_197 = arith.addf %broadcast_in_dim3A_186, %select_n3A : vector<16xf32>
      %add3A_198 = arith.constant 16 : i32
      %add3A_199 = arith.addi %mul3A_81, %add3A_198 : i32
      %add3A_200 = vector.broadcast %add3A_199 : i32 to vector<16xi32>
      %add3A_201 = arith.addi %iota3A, %add3A_200 : vector<16xi32>
      %gather3A_202 = tpu.vector_load_idx %arg8[%get3A_93] : memref<100000xi32, #tpu.memory_space<vmem>>[vector<16xi32>], vector<16xi32>,
      %add3A_203 = arith.constant 16 : i32
      %add3A_204 = arith.addi %mul3A_81, %add3A_203 : i32
      %get3A_205 = arith.index_cast %add3A_204 : i32 to index
      %get3A_206 = tpu.vector_load %arg7[%get3A_205] {strides = array<i32>} : memref<6656xf32, #tpu.memory_space<vmem>>, vector<16xf32>,
      %eq3A_207 = arith.cmpi eq, %gather3A_202, %add3A_201 : vector<16xi32>
      %jit3A_208 = arith.constant 0.000000e+00 : f32
      %broadcast_in_dim3A_209 = vector.broadcast %jit3A_208 : f32 to vector<16xf32>
      %select_n3A_210 = arith.select %eq3A_207, %get3A_206, %broadcast_in_dim3A_209 : vector<16xi1>, vector<16xf32>
      %add3A_211 = arith.addf %add3A_197, %select_n3A_210 : vector<16xf32>
      %add3A_212 = arith.constant 32 : i32
      %add3A_213 = arith.addi %mul3A_81, %add3A_212 : i32
      %add3A_214 = vector.broadcast %add3A_213 : i32 to vector<16xi32>
      %add3A_215 = arith.addi %iota3A, %add3A_214 : vector<16xi32>
      %gather3A_216 = tpu.vector_load_idx %arg8[%get3A_101] : memref<100000xi32, #tpu.memory_space<vmem>>[vector<16xi32>], vector<16xi32>,
      %add3A_217 = arith.constant 32 : i32
      %add3A_218 = arith.addi %mul3A_81, %add3A_217 : i32
      %get3A_219 = arith.index_cast %add3A_218 : i32 to index
      %get3A_220 = tpu.vector_load %arg7[%get3A_219] {strides = array<i32>} : memref<6656xf32, #tpu.memory_space<vmem>>, vector<16xf32>,
      %eq3A_221 = arith.cmpi eq, %gather3A_216, %add3A_215 : vector<16xi32>
      %jit3A_222 = arith.constant 0.000000e+00 : f32
      %broadcast_in_dim3A_223 = vector.broadcast %jit3A_222 : f32 to vector<16xf32>
      %select_n3A_224 = arith.select %eq3A_221, %get3A_220, %broadcast_in_dim3A_223 : vector<16xi1>, vector<16xf32>
      %add3A_225 = arith.addf %add3A_211, %select_n3A_224 : vector<16xf32>
      %add3A_226 = arith.constant 48 : i32
      %add3A_227 = arith.addi %mul3A_81, %add3A_226 : i32
      %add3A_228 = vector.broadcast %add3A_227 : i32 to vector<16xi32>
      %add3A_229 = arith.addi %iota3A, %add3A_228 : vector<16xi32>
      %gather3A_230 = tpu.vector_load_idx %arg8[%get3A_109] : memref<100000xi32, #tpu.memory_space<vmem>>[vector<16xi32>], vector<16xi32>,
      %add3A_231 = arith.constant 48 : i32
      %add3A_232 = arith.addi %mul3A_81, %add3A_231 : i32
      %get3A_233 = arith.index_cast %add3A_232 : i32 to index
      %get3A_234 = tpu.vector_load %arg7[%get3A_233] {strides = array<i32>} : memref<6656xf32, #tpu.memory_space<vmem>>, vector<16xf32>,
      %eq3A_235 = arith.cmpi eq, %gather3A_230, %add3A_229 : vector<16xi32>
      %jit3A_236 = arith.constant 0.000000e+00 : f32
      %broadcast_in_dim3A_237 = vector.broadcast %jit3A_236 : f32 to vector<16xf32>
      %select_n3A_238 = arith.select %eq3A_235, %get3A_234, %broadcast_in_dim3A_237 : vector<16xi1>, vector<16xf32>
      %add3A_239 = arith.addf %add3A_225, %select_n3A_238 : vector<16xf32>
      %add3A_240 = arith.constant 64 : i32
      %add3A_241 = arith.addi %mul3A_81, %add3A_240 : i32
      %add3A_242 = vector.broadcast %add3A_241 : i32 to vector<16xi32>
      %add3A_243 = arith.addi %iota3A, %add3A_242 : vector<16xi32>
      %gather3A_244 = tpu.vector_load_idx %arg8[%get3A_117] : memref<100000xi32, #tpu.memory_space<vmem>>[vector<16xi32>], vector<16xi32>,
      %add3A_245 = arith.constant 64 : i32
      %add3A_246 = arith.addi %mul3A_81, %add3A_245 : i32
      %get3A_247 = arith.index_cast %add3A_246 : i32 to index
      %get3A_248 = tpu.vector_load %arg7[%get3A_247] {strides = array<i32>} : memref<6656xf32, #tpu.memory_space<vmem>>, vector<16xf32>,
      %eq3A_249 = arith.cmpi eq, %gather3A_244, %add3A_243 : vector<16xi32>
      %jit3A_250 = arith.constant 0.000000e+00 : f32
      %broadcast_in_dim3A_251 = vector.broadcast %jit3A_250 : f32 to vector<16xf32>
      %select_n3A_252 = arith.select %eq3A_249, %get3A_248, %broadcast_in_dim3A_251 : vector<16xi1>, vector<16xf32>
      %add3A_253 = arith.addf %add3A_239, %select_n3A_252 : vector<16xf32>
      %add3A_254 = arith.constant 80 : i32
      %add3A_255 = arith.addi %mul3A_81, %add3A_254 : i32
      %add3A_256 = vector.broadcast %add3A_255 : i32 to vector<16xi32>
      %add3A_257 = arith.addi %iota3A, %add3A_256 : vector<16xi32>
      %gather3A_258 = tpu.vector_load_idx %arg8[%get3A_125] : memref<100000xi32, #tpu.memory_space<vmem>>[vector<16xi32>], vector<16xi32>,
      %add3A_259 = arith.constant 80 : i32
      %add3A_260 = arith.addi %mul3A_81, %add3A_259 : i32
      %get3A_261 = arith.index_cast %add3A_260 : i32 to index
      %get3A_262 = tpu.vector_load %arg7[%get3A_261] {strides = array<i32>} : memref<6656xf32, #tpu.memory_space<vmem>>, vector<16xf32>,
      %eq3A_263 = arith.cmpi eq, %gather3A_258, %add3A_257 : vector<16xi32>
      %jit3A_264 = arith.constant 0.000000e+00 : f32
      %broadcast_in_dim3A_265 = vector.broadcast %jit3A_264 : f32 to vector<16xf32>
      %select_n3A_266 = arith.select %eq3A_263, %get3A_262, %broadcast_in_dim3A_265 : vector<16xi1>, vector<16xf32>
      %add3A_267 = arith.addf %add3A_253, %select_n3A_266 : vector<16xf32>
      %add3A_268 = arith.constant 96 : i32
      %add3A_269 = arith.addi %mul3A_81, %add3A_268 : i32
      %add3A_270 = vector.broadcast %add3A_269 : i32 to vector<16xi32>
      %add3A_271 = arith.addi %iota3A, %add3A_270 : vector<16xi32>
      %gather3A_272 = tpu.vector_load_idx %arg8[%get3A_133] : memref<100000xi32, #tpu.memory_space<vmem>>[vector<16xi32>], vector<16xi32>,
      %add3A_273 = arith.constant 96 : i32
      %add3A_274 = arith.addi %mul3A_81, %add3A_273 : i32
      %get3A_275 = arith.index_cast %add3A_274 : i32 to index
      %get3A_276 = tpu.vector_load %arg7[%get3A_275] {strides = array<i32>} : memref<6656xf32, #tpu.memory_space<vmem>>, vector<16xf32>,
      %eq3A_277 = arith.cmpi eq, %gather3A_272, %add3A_271 : vector<16xi32>
      %jit3A_278 = arith.constant 0.000000e+00 : f32
      %broadcast_in_dim3A_279 = vector.broadcast %jit3A_278 : f32 to vector<16xf32>
      %select_n3A_280 = arith.select %eq3A_277, %get3A_276, %broadcast_in_dim3A_279 : vector<16xi1>, vector<16xf32>
      %add3A_281 = arith.addf %add3A_267, %select_n3A_280 : vector<16xf32>
      %add3A_282 = arith.constant 112 : i32
      %add3A_283 = arith.addi %mul3A_81, %add3A_282 : i32
      %add3A_284 = vector.broadcast %add3A_283 : i32 to vector<16xi32>
      %add3A_285 = arith.addi %iota3A, %add3A_284 : vector<16xi32>
      %gather3A_286 = tpu.vector_load_idx %arg8[%get3A_141] : memref<100000xi32, #tpu.memory_space<vmem>>[vector<16xi32>], vector<16xi32>,
      %add3A_287 = arith.constant 112 : i32
      %add3A_288 = arith.addi %mul3A_81, %add3A_287 : i32
      %get3A_289 = arith.index_cast %add3A_288 : i32 to index
      %get3A_290 = tpu.vector_load %arg7[%get3A_289] {strides = array<i32>} : memref<6656xf32, #tpu.memory_space<vmem>>, vector<16xf32>,
      %eq3A_291 = arith.cmpi eq, %gather3A_286, %add3A_285 : vector<16xi32>
      %jit3A_292 = arith.constant 0.000000e+00 : f32
      %broadcast_in_dim3A_293 = vector.broadcast %jit3A_292 : f32 to vector<16xf32>
      %select_n3A_294 = arith.select %eq3A_291, %get3A_290, %broadcast_in_dim3A_293 : vector<16xi1>, vector<16xf32>
      %add3A_295 = arith.addf %add3A_281, %select_n3A_294 : vector<16xf32>
      %add3A_296 = arith.constant 128 : i32
      %add3A_297 = arith.addi %mul3A_81, %add3A_296 : i32
      %add3A_298 = vector.broadcast %add3A_297 : i32 to vector<16xi32>
      %add3A_299 = arith.addi %iota3A, %add3A_298 : vector<16xi32>
      %gather3A_300 = tpu.vector_load_idx %arg8[%get3A_149] : memref<100000xi32, #tpu.memory_space<vmem>>[vector<16xi32>], vector<16xi32>,
      %add3A_301 = arith.constant 128 : i32
      %add3A_302 = arith.addi %mul3A_81, %add3A_301 : i32
      %get3A_303 = arith.index_cast %add3A_302 : i32 to index
      %get3A_304 = tpu.vector_load %arg7[%get3A_303] {strides = array<i32>} : memref<6656xf32, #tpu.memory_space<vmem>>, vector<16xf32>,
      %eq3A_305 = arith.cmpi eq, %gather3A_300, %add3A_299 : vector<16xi32>
      %jit3A_306 = arith.constant 0.000000e+00 : f32
      %broadcast_in_dim3A_307 = vector.broadcast %jit3A_306 : f32 to vector<16xf32>
      %select_n3A_308 = arith.select %eq3A_305, %get3A_304, %broadcast_in_dim3A_307 : vector<16xi1>, vector<16xf32>
      %add3A_309 = arith.addf %add3A_295, %select_n3A_308 : vector<16xf32>
      %add3A_310 = arith.constant 144 : i32
      %add3A_311 = arith.addi %mul3A_81, %add3A_310 : i32
      %add3A_312 = vector.broadcast %add3A_311 : i32 to vector<16xi32>
      %add3A_313 = arith.addi %iota3A, %add3A_312 : vector<16xi32>
      %gather3A_314 = tpu.vector_load_idx %arg8[%get3A_157] : memref<100000xi32, #tpu.memory_space<vmem>>[vector<16xi32>], vector<16xi32>,
      %add3A_315 = arith.constant 144 : i32
      %add3A_316 = arith.addi %mul3A_81, %add3A_315 : i32
      %get3A_317 = arith.index_cast %add3A_316 : i32 to index
      %get3A_318 = tpu.vector_load %arg7[%get3A_317] {strides = array<i32>} : memref<6656xf32, #tpu.memory_space<vmem>>, vector<16xf32>,
      %eq3A_319 = arith.cmpi eq, %gather3A_314, %add3A_313 : vector<16xi32>
      %jit3A_320 = arith.constant 0.000000e+00 : f32
      %broadcast_in_dim3A_321 = vector.broadcast %jit3A_320 : f32 to vector<16xf32>
      %select_n3A_322 = arith.select %eq3A_319, %get3A_318, %broadcast_in_dim3A_321 : vector<16xi1>, vector<16xf32>
      %add3A_323 = arith.addf %add3A_309, %select_n3A_322 : vector<16xf32>
      %add3A_324 = arith.constant 160 : i32
      %add3A_325 = arith.addi %mul3A_81, %add3A_324 : i32
      %add3A_326 = vector.broadcast %add3A_325 : i32 to vector<16xi32>
      %add3A_327 = arith.addi %iota3A, %add3A_326 : vector<16xi32>
      %gather3A_328 = tpu.vector_load_idx %arg8[%get3A_165] : memref<100000xi32, #tpu.memory_space<vmem>>[vector<16xi32>], vector<16xi32>,
      %add3A_329 = arith.constant 160 : i32
      %add3A_330 = arith.addi %mul3A_81, %add3A_329 : i32
      %get3A_331 = arith.index_cast %add3A_330 : i32 to index
      %get3A_332 = tpu.vector_load %arg7[%get3A_331] {strides = array<i32>} : memref<6656xf32, #tpu.memory_space<vmem>>, vector<16xf32>,
      %eq3A_333 = arith.cmpi eq, %gather3A_328, %add3A_327 : vector<16xi32>
      %jit3A_334 = arith.constant 0.000000e+00 : f32
      %broadcast_in_dim3A_335 = vector.broadcast %jit3A_334 : f32 to vector<16xf32>
      %select_n3A_336 = arith.select %eq3A_333, %get3A_332, %broadcast_in_dim3A_335 : vector<16xi1>, vector<16xf32>
      %add3A_337 = arith.addf %add3A_323, %select_n3A_336 : vector<16xf32>
      %add3A_338 = arith.constant 176 : i32
      %add3A_339 = arith.addi %mul3A_81, %add3A_338 : i32
      %add3A_340 = vector.broadcast %add3A_339 : i32 to vector<16xi32>
      %add3A_341 = arith.addi %iota3A, %add3A_340 : vector<16xi32>
      %gather3A_342 = tpu.vector_load_idx %arg8[%get3A_173] : memref<100000xi32, #tpu.memory_space<vmem>>[vector<16xi32>], vector<16xi32>,
      %add3A_343 = arith.constant 176 : i32
      %add3A_344 = arith.addi %mul3A_81, %add3A_343 : i32
      %get3A_345 = arith.index_cast %add3A_344 : i32 to index
      %get3A_346 = tpu.vector_load %arg7[%get3A_345] {strides = array<i32>} : memref<6656xf32, #tpu.memory_space<vmem>>, vector<16xf32>,
      %eq3A_347 = arith.cmpi eq, %gather3A_342, %add3A_341 : vector<16xi32>
      %jit3A_348 = arith.constant 0.000000e+00 : f32
      %broadcast_in_dim3A_349 = vector.broadcast %jit3A_348 : f32 to vector<16xf32>
      %select_n3A_350 = arith.select %eq3A_347, %get3A_346, %broadcast_in_dim3A_349 : vector<16xi1>, vector<16xf32>
      %add3A_351 = arith.addf %add3A_337, %select_n3A_350 : vector<16xf32>
      %add3A_352 = arith.constant 192 : i32
      %add3A_353 = arith.addi %mul3A_81, %add3A_352 : i32
      %add3A_354 = vector.broadcast %add3A_353 : i32 to vector<16xi32>
      %add3A_355 = arith.addi %iota3A, %add3A_354 : vector<16xi32>
      %gather3A_356 = tpu.vector_load_idx %arg8[%get3A_181] : memref<100000xi32, #tpu.memory_space<vmem>>[vector<16xi32>], vector<16xi32>,
      %add3A_357 = arith.constant 192 : i32
      %add3A_358 = arith.addi %mul3A_81, %add3A_357 : i32
      %get3A_359 = arith.index_cast %add3A_358 : i32 to index
      %get3A_360 = tpu.vector_load %arg7[%get3A_359] {strides = array<i32>} : memref<6656xf32, #tpu.memory_space<vmem>>, vector<16xf32>,
      %eq3A_361 = arith.cmpi eq, %gather3A_356, %add3A_355 : vector<16xi32>
      %and3A = arith.andi %eq3A_361, %lt3A_29 : vector<16xi1>
      %jit3A_362 = arith.constant 0.000000e+00 : f32
      %broadcast_in_dim3A_363 = vector.broadcast %jit3A_362 : f32 to vector<16xf32>
      %select_n3A_364 = arith.select %and3A, %get3A_360, %broadcast_in_dim3A_363 : vector<16xi1>, vector<16xf32>
      %add3A_365 = arith.addf %add3A_351, %select_n3A_364 : vector<16xf32>
      %reduce_sum3A = arith.constant true
      %reduce_sum3A_366 = vector.broadcast %reduce_sum3A : i1 to vector<16xi1>
      %reduce_sum3A_367 = tpu.scan <sum>, %add3A_365 masked %reduce_sum3A_366 : vector<16xf32>, vector<16xi1> -> vector<16xf32>
      %reduce_sum3A_368 = vector.extract %reduce_sum3A_367[15] : f32 from vector<16xf32>
      %broadcast_in_dim3A_369 = vector.broadcast %reduce_sum3A_368 : f32 to vector<16xf32>
      %add3A_370 = arith.addf %broadcast_in_dim3A_369, %get3A_30 : vector<16xf32>
      %broadcast_in_dim3A_371 = vector.broadcast %scan3A_79 : i32 to vector<16xi32>
      %eq3A_372 = arith.constant 0 : i32
      %eq3A_373 = vector.broadcast %eq3A_372 : i32 to vector<16xi32>
      %eq3A_374 = arith.cmpi eq, %iota3A, %eq3A_373 : vector<16xi32>
      tpu.vector_store_idx %arg9[%broadcast_in_dim3A_371], %add3A_370 masked %eq3A_374 : memref<32xf32, #tpu.memory_space<vmem>>[vector<16xi32>], vector<16xf32>, vector<16xi1>
    }
    %scan3A_76 = arith.constant 8 : i32
    %mul3A_77 = arith.constant 32 : i32
    %mul3A_78 = arith.muli %add3A, %mul3A_77 : i32
    "tpu.region"() ({
      %run_scoped3A = tpu.sem_alloc : memref<!tpu.dma_semaphore, #tpu.memory_space<semaphore_mem>>
      %dma_start3A_79 = tpu.memref_slice %arg5[%mul3A_78] : memref<1024xf32, #tpu.memory_space<hbm>> -> memref<32xf32, #tpu.memory_space<hbm>>
      %dma_start3A_80 = tpu.memref_slice %arg5[%mul3A_78] : memref<1024xf32, #tpu.memory_space<hbm>> -> memref<32xf32, #tpu.memory_space<hbm>>
      tpu.enqueue_dma source(%arg9 : memref<32xf32, #tpu.memory_space<vmem>>) target(%dma_start3A_80 : memref<32xf32, #tpu.memory_space<hbm>>) target_semaphore(%run_scoped3A : memref<!tpu.dma_semaphore, #tpu.memory_space<semaphore_mem>>)
      %dma_wait3A_81 = tpu.memref_slice %arg5[%mul3A_78] : memref<1024xf32, #tpu.memory_space<hbm>> -> memref<32xf32, #tpu.memory_space<hbm>>
      %dma_wait3A_82 = tpu.memref_slice %arg5[%mul3A_78] : memref<1024xf32, #tpu.memory_space<hbm>> -> memref<32xf32, #tpu.memory_space<hbm>>
      tpu.wait_dma2 semaphore(%run_scoped3A : memref<!tpu.dma_semaphore, #tpu.memory_space<semaphore_mem>>) src(%arg9 : memref<32xf32, #tpu.memory_space<vmem>>) dst(%dma_wait3A_82 : memref<32xf32, #tpu.memory_space<hbm>>)
      tpu.yield
    }) : () -> ()
    return
  }
}

</mosaic_0001>

<sc_bundles>
// kernel: kernel.3.cloned.1.call-start
scs
__scs_entry_jumppad:
0x0: {  	(pc) =	sbr.rel $0x88, $3  }
0x1: {  	(tag) =	ssettag $0x0;
	lr =	simm.s32 $0x1  }
0x2: {  	[smem:$0x3F9E] =	sst lr;
	_ =	strace $0xD0000000  }
0x3: {  	_ = 	snop  }
0x4: {  	_ = 	snop  }
0x5: {  	_ = 	snop  }
0x6: {  	_ = 	snop  }
0x7: {  	_ = 	snop  }
__scs_overlays_trampoline_lowered:
0x8: {  	[smem:$0x3FAD] =	sst s0  }
0x9: {  	[smem:$0x3FAE] =	sst s1  }
0xa: {  	[smem:$0x3FAF] =	sst s2  }
0xb: {  	[smem:$0x3FB0] =	sst s3  }
0xc: {  	[smem:$0x3FB1] =	sst s4  }
0xd: {  	[smem:$0x3FB2] =	sst s5  }
0xe: {  	[smem:$0x3FB3] =	sst s6  }
0xf: {  	[smem:$0x3FB4] =	sst s7  }
0x10: {  	[smem:$0x3FB5] =	sst s8  }
0x11: {  	[smem:$0x3FB6] =	sst s9;
	s0 =	simm.s32 @!p0 $0x0  }
0x12: {  	s1 =	sld [smem:$0x3F9C];
	s0 =	simm.s32 @p0 $0x1  }
0x13: {  	[smem:$0x3FB7] =	sst s0;
	s0 =	simm.s32 @!p1 $0x0  }
0x14: {  	s2 =	sld [smem:$0x3F9B];
	s0 =	simm.s32 @p1 $0x1  }
0x15: {  	[smem:$0x3FB8] =	sst s0;
	s0 =	simm.s32 @!p2 $0x0  }
0x16: {  	s3 =	sld [smem:$0x3FDB];
	s0 =	simm.s32 @p2 $0x1  }
0x17: {  	s4 =	simm.s32 $0x1BF5;
	[smem:$0x3FBA] =	sst s0  }
0x18: {  	s0 =	sld [smem:$0x3F9D];
	_ =	swait.ge [sflag:s4], $0x0  }
0x19: {  	s7 =	sld [smem:$0x3F9E]  }
0x1a: {  	s8 =	sadd.s32 $0xFFFFE003, lr  }
0x1b: {  	s9 =	sadd.s32 $0xFFFFFEF7, lr;
	s5 =	simm.s32 $0xFFFFFFFF;
	p2 =	slt.u32 s8, $0xFFFFF086  }
0x1c: {  	p1 =	slt.u32 s9, $0xF7A;
	s5 =	simm.s32 @!p2 $0x0  }
0x1d: {  	s5 =	simm.s32 @p1 $0x1;
	p0 =	seq.s32 s7, s2  }
0x1e: {  	s7 =	smul.u32 @!p0 $0xF7A, s2;
	p2 =	seq.s32 @!p0 s5, $0x0  }
0x1f: {  	s9 =	smul.u32 $0xF7A, s1;
	s8 =	simm.s32 @!p0 $0x1BF5;
	p2 =	por !p2, p0  }
0x20: {  	[sflag:s8] =	ssyncset.s32 @!p0 $0xFFFFF086;
	s6 =	sadd.s32 @!p0 s3, s7;
	s7 =	simm.s32 @!p0 $0x108  }
0x21: {  	s3 =	sadd.s32 s3, s9;
	s6 =	sadd.s32 @!p0 $0x88, s6;
	s7 =	simm.s32 @p2 $0x1082  }
0x22: {  	[simem:s7], [sflag:s8] =	dma.local @!p0 [hbm:s6], $0xF7A  }
0x23: {  	s9 =	sor.u32 $0xD0000000, s2;
	s6 =	simm.s32 $0x108;
	_ =	swait.ge @!p0 [sflag:s8], $0x0  }
0x24: {  	s3 =	sadd.s32 $0x88, s3;
	s6 =	simm.s32 @!p1 $0x1082;
	[sflag:s4] =	ssyncset.s32 $0xFFFFF086  }
0x25: {  	[simem:s6], [sflag:s4] =	dma.local [hbm:s3], $0xF7A  }
0x26: {  	[smem:$0x3F9E] =	sst s1;
	(tag) =	ssettag s2;
	_ =	strace s9  }
0x27: {  	s1 =	sld [smem:$0x3FAE]  }
0x28: {  	s2 =	sld [smem:$0x3FAF]  }
0x29: {  	s4 =	sld [smem:$0x3FB1]  }
0x2a: {  	p0 =	seq.s32 s5, $0x0;
	s5 =	sld [smem:$0x3FB2]  }
0x2b: {  	s6 =	sld [smem:$0x3FB3]  }
0x2c: {  	s7 =	sld [smem:$0x3FB4]  }
0x2d: {  	s3 =	simm.s32 $0x108;
	s8 =	sld [smem:$0x3FB5]  }
0x2e: {  	s3 =	simm.s32 @!p0 $0x1082;
	s9 =	sld [smem:$0x3FB6]  }
0x2f: {  	lr =	sadd.s32 s0, s3;
	s0 =	sld [smem:$0x3FAD]  }
0x30: {  	s3 =	sld [smem:$0x3FB0]  }
0x31: {  	[smem:$0x3FB9] =	sst s10  }
0x32: {  	s10 =	sld [smem:$0x3FB7];
	_ =	sdelay $0x3  }
0x33: {  	p0 =	seq.s32 s10, $0x1;
	s10 =	sld [smem:$0x3FB9];
	_ =	sdelay $0x3  }
0x34: {  	[smem:$0x3FB9] =	sst s10  }
0x35: {  	s10 =	sld [smem:$0x3FB8];
	_ =	sdelay $0x3  }
0x36: {  	p1 =	seq.s32 s10, $0x1;
	s10 =	sld [smem:$0x3FB9];
	_ =	sdelay $0x3  }
0x37: {  	[smem:$0x3FB9] =	sst s10  }
0x38: {  	s10 =	sld [smem:$0x3FBA]  }
0x39: {  	_ = 	snop;
	(pc) =	sbr.ind lr, $3  }
0x3a: {  	_ = 	snop  }
0x3b: {  	_ = 	snop  }
0x3c: {  	p2 =	seq.s32 s10, $0x1;
	s10 =	sld [smem:$0x3FB9]  }
0x3d: {  	_ =	shalt  }
0x3e: {  	_ =	shalt  }
0x3f: {  	_ =	shalt  }
0x40: {  	_ =	shalt  }
0x41: {  	_ =	shalt  }
0x42: {  	_ =	shalt  }
0x43: {  	_ =	shalt  }
0x44: {  	_ =	shalt  }
0x45: {  	_ =	shalt  }
0x46: {  	_ =	shalt  }
0x47: {  	_ =	shalt  }
0x48: {  	_ =	shalt  }
0x49: {  	_ =	shalt  }
0x4a: {  	_ =	shalt  }
0x4b: {  	_ =	shalt  }
0x4c: {  	_ =	shalt  }
0x4d: {  	_ =	shalt  }
0x4e: {  	_ =	shalt  }
0x4f: {  	_ =	shalt  }
0x50: {  	_ =	shalt  }
0x51: {  	_ =	shalt  }
0x52: {  	_ =	shalt  }
0x53: {  	_ =	shalt  }
0x54: {  	_ =	shalt  }
0x55: {  	_ =	shalt  }
0x56: {  	_ =	shalt  }
0x57: {  	_ =	shalt  }
0x58: {  	_ =	shalt  }
0x59: {  	_ =	shalt  }
0x5a: {  	_ =	shalt  }
0x5b: {  	_ =	shalt  }
0x5c: {  	_ =	shalt  }
0x5d: {  	_ =	shalt  }
0x5e: {  	_ =	shalt  }
0x5f: {  	_ =	shalt  }
0x60: {  	_ =	shalt  }
0x61: {  	_ =	shalt  }
0x62: {  	_ =	shalt  }
0x63: {  	_ =	shalt  }
0x64: {  	_ =	shalt  }
0x65: {  	_ =	shalt  }
0x66: {  	_ =	shalt  }
0x67: {  	_ =	shalt  }
0x68: {  	_ =	shalt  }
0x69: {  	_ =	shalt  }
0x6a: {  	_ =	shalt  }
0x6b: {  	_ =	shalt  }
0x6c: {  	_ =	shalt  }
0x6d: {  	_ =	shalt  }
0x6e: {  	_ =	shalt  }
0x6f: {  	_ =	shalt  }
0x70: {  	_ =	shalt  }
0x71: {  	_ =	shalt  }
0x72: {  	_ =	shalt  }
0x73: {  	_ =	shalt  }
0x74: {  	_ =	shalt  }
0x75: {  	_ =	shalt  }
0x76: {  	_ =	shalt  }
0x77: {  	_ =	shalt  }
0x78: {  	_ =	shalt  }
0x79: {  	_ =	shalt  }
0x7a: {  	_ =	shalt  }
0x7b: {  	_ =	shalt  }
0x7c: {  	_ =	shalt  }
0x7d: {  	_ =	shalt  }
0x7e: {  	_ =	shalt  }
0x7f: {  	_ =	shalt  }
0x80: {  	_ =	shalt  }
0x81: {  	_ =	shalt  }
0x82: {  	_ =	shalt  }
0x83: {  	_ =	shalt  }
0x84: {  	_ =	shalt  }
0x85: {  	_ =	shalt  }
0x86: {  	_ =	shalt  }
0x87: {  	_ =	shalt  }
.Lfunc_end0:
.L_simem_size_0:
called_computation_lowered:
.L_overlay_start_0:
0x88: {  	s2 =	sld [smem:$0x3FD9]  }
0x89: {  	s3 =	sld [smem:$0x3FFE];
	_ =	sdelay $0x1  }
0x8a: {  	s1 =	srdreg.scid  }
0x8b: {  	s0 =	sand.u32 $0x1, s1  }
0x8c: {  	s17 =	sshll.u32 s0, $0xA;
	s2 =	sadd.s32 s3, s2  }
0x8d: {  	s2 =	sadd.s32 s2, s17  }
0x8e: {  	[smem:$0x3FC5] =	sst s2  }
0x8f: {  	_ = 	snop  }
0x90: {  	s2 =	sld [smem:$0x3FD0];
	(tm) =	ssettm $0x1  }
0x91: {  	s18 =	sld [smem:$0x3FFB];
	_ =	sdelay $0x3  }
0x92: {  	_ =	strace s18  }
0x93: {  	s3 =	sld [smem:$0x3FFC];
	_ =	sdelay $0x3  }
0x94: {  	_ =	strace s3  }
0x95: {  	s3 =	sld [smem:$0x3FFD];
	_ =	sdelay $0x3  }
0x96: {  	_ =	strace s3  }
0x97: {  	_ =	strace $0x8FFFFFFF  }
0x98: {  	s19 =	sld [smem:$0x3FDB];
	_ =	sdelay $0x1  }
0x99: {  	s4 =	simm.s32 $_scs_section_size  }
0x9a: {  	s5 =	simm.s32 $_size__tile_overlayer_lowered;
	s6 =	simm.s32 $_tile_overlayer_lowered  }
0x9b: {  	s22 =	simm.s32 $0x1BFF;
	s21 =	sshll.u32 s6, $0x1;
	s3 =	sadd.s32 s4, s19  }
0x9c: {  	s7 =	simm.s32 $0x0;
	s20 =	sshll.u32 s5, $0x1;
	s5 =	sadd.s32 s21, s3  }
0x9d: {  	[timem:s7], [sflag:s22] =	dma.local [hbm:s5], s20  }
0x9e: {  	_ =	swait.ge [sflag:s22], s20  }
0x9f: {  	s4 =	ssub.s32 $0x0, s20;
	[sflag:s22] =	ssyncset.done $0x0  }
0xa0: {  	[sflag:s22] =	ssyncadd.s32 s4;
	_ =	sdelay $0x1  }
0xa1: {  	s23 =	simm.s32 $0x1B8B  }
0xa2: {  	_ =	swait.ge [sflag:s23], $0x1  }
0xa3: {  	[sflag:s23] =	ssyncset.done $0x0  }
0xa4: {  	s25 =	simm.s32 $0x1B8E;
	s24 =	sld [smem:$0x3FFE];
	[sflag:s23] =	ssyncadd.s32 $0xFFFFFFFF  }
0xa5: {  	s26 =	simm.s32 $execute0_lowered;
	[smem:$0x3FD2] =	sst s25  }
0xa6: {  	s5 =	sshll.u32 s26, $0x1;
	_ =	strace $0x80000046;
	[dreg:$0x1] =	wrdreg $0xFFFFFFFF  }
0xa7: {  	s28 =	simm.s32 $_size_execute0_lowered;
	s3 =	sadd.s32 s3, s5;
	[dreg:$0x0] =	wrdreg $0x0  }
0xa8: {  	s5 =	sshll.u32 s28, $0x1;
	[dreg:$0x2] =	wrdreg s3  }
0xa9: {  	[dreg:$0x3] =	wrdreg s5  }
0xaa: {  	[dreg:$0x4] =	wrdreg $0xC0  }
0xab: {  	_ =	task [dreg:s7], $0x5FFFF  }
0xac: {  	[dreg:$0x1] =	wrdreg $0xFFFFFFFF  }
0xad: {  	[dreg:$0x0] =	wrdreg $0x60  }
0xae: {  	[dreg:$0x2] =	wrdreg s24  }
0xaf: {  	[dreg:$0x3] =	wrdreg s2  }
0xb0: {  	[dreg:$0x4] =	wrdreg $0x1BC000  }
0xb1: {  	[dreg:$0x5] =	wrdreg $0x9  }
0xb2: {  	_ =	task.clear_ibuf [dreg:s7], $0x6FFFF;
	_ =	strace $0x90000046  }
0xb3: {  	s29 =	simm.s32 $0x9;
	_ =	strace $0x80000048  }
0xb4: {  	_ =	swait.ge [sflag:s29], $0x1  }
0xb5: {  	[sflag:s29] =	ssyncadd.s32 $0xFFFFFFFF  }
0xb6: {  	_ =	strace $0x90000048  }
0xb7: {  	_ =	sfence  }
0xb8: {  	s30 =	sld [smem:$0x0];
	_ =	sdelay $0x2  }
0xb9: {  	s31 =	sshll.u32 s1, $0xD;
	s1 =	sshrl.u32 s1, $0x2  }
0xba: {  	s3 =	sand.u32 $0x4000, s31;
	s1 =	sadd.s32 s1, s30  }
0xbb: {  	s0 =	sor.u32 s3, s0;
	s1 =	sshll.u32 s1, $0x11  }
0xbc: {  	s0 =	sor.u32 s1, s0  }
0xbd: {  	s0 =	sadd.s32 $0x8F2B, s0  }
0xbe: {  	[sflag:s0] =	ssyncadd.remote.s32 $0x1  }
0xbf: {  	_ =	sfence.sel $0xFFFF  }
0xc0: {  	[dreg:$0x0] =	wrdreg $0xFFFFFFFF;
	(pc) =	sbr.abs _section_cstart, $3  }
0xc1: {  	[dreg:$0x1] =	wrdreg $0xFFFFFFFF  }
0xc2: {  	_ =	task.clear_ibuf [dreg:s7], $0x2FFFF;
	_ =	strace $0x9FFFFFFF  }
0xc3: {  	(tm) =	ssettm $0x7FFFFFFF  }
tec
execute0_lowered:
.L_overlay_start_1:
0x0: {  	(tag) =	ssettag $0x1  }
0x1: {  	s4 =	rddreg [dreg:$0x0]  }
0x2: {  	s6 =	rddreg [dreg:$0x1]  }
0x3: {  	s0 =	srdreg.scid;
	s7 =	stileid.u32  }
0x4: {  	s1 =	rddreg [dreg:$0x2];
	s2 =	simm.s32 $0x0;
	s11 =	simm.s32 $0x680  }
0x5: {  	s12 =	simm.s32 $0x1A00;
	s13 =	simm.s32 $0x2080;
	s14 =	simm.s32 $0xD00  }
0x6: {  	s15 =	simm.s32 $0x2700;
	s16 =	simm.s32 $0x1380;
	s17 =	simm.s32 $0x2D80  }
0x7: {  	s18 =	simm.s32 $0x1;
	s19 =	simm.s32 $0x3400;
	s20 =	simm.s32 $0x1BB00  }
0x8: {  	s21 =	simm.s32 $0x2;
	s22 =	simm.s32 $0x3;
	s23 =	simm.s32 $0x4  }
0x9: {  	s24 =	simm.s32 $0x0;
	s3 =	sand.u32 $0x1, s0;
	s5 =	sshll.u32 s7, $0x1  }
0xa: {  	[smem:$0x7FF] =	sst s2;
	p0 =	sne.s32 s7, $0x0;
	s5 =	sor.u32 s3, s5  }
0xb: {  	_ =	strace $0x80000047;
	s9 =	ssub.s32 $0x2, s3;
	s3 =	sadd.s32 $0x6A00, s4  }
0xc: {  	s8 =	smul.u32 $0x340, s5;
	s10 =	sshrl.u32 s9, $0x1;
	s31 =	sshll.u32 s5, $0x2  }
0xd: {  	s9 =	ssub.s32 s9, s10;
	s6 =	sadd.s32 s6, s31;
	s10 =	simm.s32 $0x1BB80  }
0xe: {  	s8 =	sadd.s32 s8, s4;
	s4 =	sadd.s32 $0x9C00, s4;
	s7 =	smax.u32 s9, $0x1  }
0xf: {  	v0 =	vlaneseq.u32;
	vm0 =	vmmov $0xff;
	s9 =	simm.s32 $0x5;
	s5 =	sadd.s32 $0x200, s8;
	s8 =	sshrl.u32 @!p0 s1, $0x3  }
.LBB2_1:
0x10: {  	s25 =	simm.s32 @!p0 $0x1C05  }
0x11: {  	[spmem:s8], [sflag:s25] =	dma.local @!p0 [hbm:s3], $0x30E0  }
0x12: {  	s25 =	simm.s32 @!p0 $0x5  }
0x13: {  	_ =	swait.ge @!p0 [sflag:s25], $0x30E0  }
0x14: {  	[sflag:s25] =	ssyncset.done @!p0 $0x0  }
0x15: {  	[sflag:s25] =	ssyncadd.s32 @!p0 $0xFFFFCF20  }
0x16: {  	[tilespmem:s2], [sflag:$0x5] =	stream.linear.gather [hbm4b:s5+s2], $0x1A00, $0x38;
	[tilespmem:$0x1D470] =	vst v63  }
0x17: {  	_ =	swait.ge [sflag:s9], $0x1A00  }
0x18: {  	[sflag:s9] =	ssyncset.done $0x0  }
0x19: {  	[sflag:s9] =	ssyncadd.s32 $0xFFFFE600  }
0x1a: {  	[tilespmem:s10], [sflag:$0x5] =	stream.linear.gather [hbm4b:s4+s2], $0x80, $0x38;
	[tilespmem:$0x1D470] =	vst v63  }
0x1b: {  	_ =	swait.ge [sflag:s9], $0x80  }
0x1c: {  	[sflag:s9] =	ssyncset.done $0x0  }
0x1d: {  	[sflag:s9] =	ssyncadd.s32 $0xFFFFFF80  }
0x1e: {  	[bflag:$0x0] =	sbarrier.arrive $0xFFFF  }
0x1f: {  	[tilespmem:s12], [sflag:$0x1] =	stream.indirect.gather [spmem:s1], $0x1, s2, s11, $0xb8;
	[tilespmem:$0x1D470] =	vst v63  }
0x20: {  	_ = 	snop  }
0x21: {  	[tilespmem:s13], [sflag:$0x2] =	stream.indirect.gather [spmem:s1], $0x1, s11, s11, $0xb8;
	[tilespmem:$0x1D470] =	vst v63  }
0x22: {  	_ = 	snop  }
0x23: {  	[tilespmem:s15], [sflag:$0x3] =	stream.indirect.gather [spmem:s1], $0x1, s14, s11, $0xb8;
	[tilespmem:$0x1D470] =	vst v63  }
0x24: {  	_ = 	snop  }
0x25: {  	[tilespmem:s17], [sflag:$0x4] =	stream.indirect.gather [spmem:s1], $0x1, s16, s11, $0xb8;
	[tilespmem:$0x1D470] =	vst v63  }
0x26: {  	v1 =	vld [tilespmem:$0x1BB80];
	_ =	swait.ge [sflag:s18], $0x680  }
0x27: {  	s26 =	simm.s32 $0x60;
	s28 =	simm.s32 $0x0;
	[sflag:s18] =	ssyncset.done $0x0  }
0x28: {  	s29 =	simm.s32 $0x0;
	s25 =	simm.s32 $0x1A60;
	[sflag:s18] =	ssyncadd.s32 $0xFFFFF980  }
.LBB2_2:
0x29: {  	v2 =	vld [tilespmem:s26+$0xFFFFFFA0];
	_ =	sdelay $0x6  }
0x2a: {  	v3 =	vor.u32 s28, v0  }
0x2b: {  	[tilespmem:v2+s19+$0x0] =	vst.idx.msk $0xffff, v3  }
0x2c: {  	v4 =	vld [tilespmem:s26+$0xFFFFFFB0];
	_ =	sdelay $0x5  }
0x2d: {  	s30 =	sadd.s32 $0x10, s28  }
0x2e: {  	v5 =	vor.u32 s30, v0  }
0x2f: {  	[tilespmem:v4+s19+$0x0] =	vst.idx.msk $0xffff, v5  }
0x30: {  	v6 =	vld [tilespmem:s26+$0xFFFFFFC0];
	_ =	sdelay $0x5  }
0x31: {  	s31 =	sadd.s32 $0x20, s28  }
0x32: {  	v7 =	vor.u32 s31, v0  }
0x33: {  	[tilespmem:v6+s19+$0x0] =	vst.idx.msk $0xffff, v7  }
0x34: {  	v8 =	vld [tilespmem:s26+$0xFFFFFFD0];
	_ =	sdelay $0x5  }
0x35: {  	s0 =	sadd.s32 $0x30, s28  }
0x36: {  	v9 =	vor.u32 s0, v0  }
0x37: {  	[tilespmem:v8+s19+$0x0] =	vst.idx.msk $0xffff, v9  }
0x38: {  	v10 =	vld [tilespmem:s26+$0xFFFFFFE0];
	_ =	sdelay $0x5  }
0x39: {  	s31 =	sadd.s32 $0x40, s28  }
0x3a: {  	v11 =	vor.u32 s31, v0  }
0x3b: {  	[tilespmem:v10+s19+$0x0] =	vst.idx.msk $0xffff, v11  }
0x3c: {  	v12 =	vld [tilespmem:s26+$0xFFFFFFF0];
	_ =	sdelay $0x5  }
0x3d: {  	s0 =	sadd.s32 $0x50, s28  }
0x3e: {  	v13 =	vor.u32 s0, v0  }
0x3f: {  	[tilespmem:v12+s19+$0x0] =	vst.idx.msk $0xffff, v13  }
0x40: {  	v14 =	vld [tilespmem:s26+$0x0];
	_ =	sdelay $0x5  }
0x41: {  	s31 =	sadd.s32 $0x60, s28  }
0x42: {  	v15 =	vor.u32 s31, v0  }
0x43: {  	[tilespmem:v14+s19+$0x0] =	vst.idx.msk $0xffff, v15  }
0x44: {  	v16 =	vld [tilespmem:s26+$0x10];
	_ =	sdelay $0x5  }
0x45: {  	s0 =	sadd.s32 $0x70, s28;
	s31 =	sadd.s32 $0x80, s28  }
0x46: {  	v17 =	vor.u32 s0, v0;
	s0 =	sand.u32 $0x70, s28;
	s30 =	sand.u32 $0xF80, s31  }
0x47: {  	s0 =	sor.u32 s0, s30;
	[tilespmem:v16+s19+$0x0] =	vst.idx.msk $0xffff, v17  }
0x48: {  	v18 =	vld [tilespmem:s0+$0x0];
	_ =	sdelay $0x6  }
0x49: {  	v19 =	vor.u32 s31, v0  }
0x4a: {  	[tilespmem:v18+s19+$0x0] =	vst.idx.msk $0xffff, v19  }
0x4b: {  	v20 =	vld [tilespmem:s26+$0x30];
	_ =	sdelay $0x5  }
0x4c: {  	s31 =	sadd.s32 $0x90, s28  }
0x4d: {  	v21 =	vor.u32 s31, v0  }
0x4e: {  	[tilespmem:v20+s19+$0x0] =	vst.idx.msk $0xffff, v21  }
0x4f: {  	v22 =	vld [tilespmem:s26+$0x40];
	_ =	sdelay $0x5  }
0x50: {  	s31 =	sadd.s32 $0xA0, s28  }
0x51: {  	v23 =	vor.u32 s31, v0  }
0x52: {  	[tilespmem:v22+s19+$0x0] =	vst.idx.msk $0xffff, v23  }
0x53: {  	v24 =	vld [tilespmem:s26+$0x50];
	_ =	sdelay $0x5  }
0x54: {  	s31 =	sadd.s32 $0xB0, s28  }
0x55: {  	v25 =	vor.u32 s31, v0  }
0x56: {  	[tilespmem:v24+s19+$0x0] =	vst.idx.msk $0xffff, v25  }
0x57: {  	v26 =	vld [tilespmem:s26+$0x60];
	_ =	sdelay $0x5  }
0x58: {  	s31 =	sadd.s32 $0xC0, s28  }
0x59: {  	v27 =	vor.u32 s31, v0  }
0x5a: {  	[tilespmem:v26+s19+$0x0] =	vst.idx.msk $0xff, v27  }
0x5b: {  	v2 =	vld.idx.msk [tilespmem:v2+s19+$0x0], $0xffff  }
0x5c: {  	v28 =	vld [tilespmem:s25+$0xFFFFFFA0]  }
0x5d: {  	v4 =	vld.idx.msk [tilespmem:v4+s19+$0x0], $0xffff  }
0x5e: {  	v29 =	vld [tilespmem:s25+$0xFFFFFFB0]  }
0x5f: {  	v6 =	vld.idx.msk [tilespmem:v6+s19+$0x0], $0xffff  }
0x60: {  	v30 =	vld [tilespmem:s25+$0xFFFFFFC0]  }
0x61: {  	v8 =	vld.idx.msk [tilespmem:v8+s19+$0x0], $0xffff  }
0x62: {  	v31 =	vld [tilespmem:s25+$0xFFFFFFD0];
	v28 =	vadd.f32 $0.0e+00, v28  }
0x63: {  	v45 =	vld [tilespmem:s25+$0xFFFFFFE0];
	vm1 =	veq.s32 v2, v3;
	vm2 =	veq.s32 v4, v5  }
0x64: {  	v2 =	vld.idx.msk [tilespmem:v10+s19+$0x0], $0xffff;
	v4 =	vnsel vm2, $0x0, v29;
	v3 =	vnsel vm1, $0x0, v28  }
0x65: {  	v46 =	vld.idx.msk [tilespmem:v12+s19+$0x0], $0xffff;
	vm1 =	veq.s32 v6, v7;
	v3 =	vadd.f32 v4, v3  }
0x66: {  	v47 =	vld [tilespmem:s25+$0xFFFFFFF0];
	v6 =	vnsel vm1, $0x0, v30  }
0x67: {  	v48 =	vld.idx.msk [tilespmem:v14+s19+$0x0], $0xffff;
	vm1 =	veq.s32 v8, v9;
	v3 =	vadd.f32 v6, v3  }
0x68: {  	v49 =	vld [tilespmem:s25+$0x0];
	v8 =	vnsel vm1, $0x0, v31  }
0x69: {  	v50 =	vld [tilespmem:s25+$0x10];
	vm1 =	veq.s32 v2, v11;
	v3 =	vadd.f32 v8, v3  }
0x6a: {  	v2 =	vld.idx.msk [tilespmem:v16+s19+$0x0], $0xffff;
	v5 =	vnsel vm1, $0x0, v45  }
0x6b: {  	v51 =	vld.idx.msk [tilespmem:v18+s19+$0x0], $0xffff;
	vm1 =	veq.s32 v46, v13;
	v3 =	vadd.f32 v5, v3  }
0x6c: {  	v53 =	vld [tilespmem:s0+$0x1A00];
	v52 =	vnsel vm1, $0x0, v47  }
0x6d: {  	v54 =	vld.idx.msk [tilespmem:v20+s19+$0x0], $0xffff;
	vm1 =	veq.s32 v48, v15;
	v3 =	vadd.f32 v52, v3  }
0x6e: {  	v55 =	vld [tilespmem:s25+$0x30];
	v6 =	vnsel vm1, $0x0, v49  }
0x6f: {  	v57 =	vld [tilespmem:s25+$0x40];
	vm1 =	veq.s32 v2, v17;
	v3 =	vadd.f32 v6, v3  }
0x70: {  	v2 =	vld.idx.msk [tilespmem:v22+s19+$0x0], $0xffff;
	v56 =	vnsel vm1, $0x0, v50  }
0x71: {  	v58 =	vld.idx.msk [tilespmem:v24+s19+$0x0], $0xffff;
	vm1 =	veq.s32 v51, v19;
	v3 =	vadd.f32 v56, v3  }
0x72: {  	v60 =	vld [tilespmem:s25+$0x50];
	v59 =	vnsel vm1, $0x0, v53  }
0x73: {  	v61 =	vld.idx.msk [tilespmem:v26+s19+$0x0], $0xffff;
	vm1 =	veq.s32 v54, v21;
	v3 =	vadd.f32 v59, v3  }
0x74: {  	v62 =	vnsel vm1, $0x0, v55  }
0x75: {  	vm1 =	veq.s32 v2, v23;
	v2 =	vld [tilespmem:s25+$0x60];
	v3 =	vadd.f32 v62, v3  }
0x76: {  	v63 =	vnsel vm1, $0x0, v57  }
0x77: {  	vm1 =	veq.s32 v58, v25;
	v3 =	vadd.f32 v63, v3  }
0x78: {  	v4 =	vnsel vm1, $0x0, v60;
	vm1 =	veq.s32 v61, v27  }
0x79: {  	vm1 =	vmand vm1, vm0;
	v3 =	vadd.f32 v4, v3  }
0x7a: {  	v2 =	vnsel vm1, $0x0, v2  }
0x7b: {  	v2 =	vadd.f32 v2, v3;
	_ =	sdelay $0x1  }
0x7c: {  	(xrf2) =	vadd.scan.msk.f32 $0xffff, v2;
	_ =	sdelay $0x9  }
0x7d: {  	p1 =	sne.s32 s28, $0x5B0;
	v3 =	vmov s29;
	v2, _, _ =	vpop (xrf2)  }
.Ltmp0:
0x7e: {  	v2 =	vbroadcast v2, $0xF;
	(pc) =	sbr.rel @p1 .LBB2_2-.Ltmp0, $4  }
0x7f: {  	_ = 	snop  }
0x80: {  	v2 =	vadd.f32 v2, v1  }
0x81: {  	s28 =	sadd.s32 $0xD0, s28  }
0x82: {  	s26 =	sadd.s32 $0xD0, s26;
	s25 =	sadd.s32 $0xD0, s25;
	s29 =	sadd.s32 $0x1, s29;
	[tilespmem:v3+s20+$0x0] =	vst.idx.msk $0x1, v2  }
0x83: {  	_ =	swait.ge [sflag:s21], $0x680  }
0x84: {  	s25 =	simm.s32 $0x8;
	s26 =	simm.s32 $0x680;
	[sflag:s21] =	ssyncset.done $0x0  }
0x85: {  	s28 =	simm.s32 $0x740;
	s29 =	simm.s32 $0x2140;
	[sflag:s21] =	ssyncadd.s32 $0xFFFFF980  }
.LBB2_4:
0x86: {  	v2 =	vld [tilespmem:s28+$0xFFFFFF40];
	_ =	sdelay $0x6  }
0x87: {  	v3 =	vor.u32 s26, v0  }
0x88: {  	[tilespmem:v2+s19+$0x0] =	vst.idx.msk $0xffff, v3  }
0x89: {  	v4 =	vld [tilespmem:s28+$0xFFFFFF50];
	_ =	sdelay $0x5  }
0x8a: {  	s0 =	sadd.s32 $0x10, s26  }
0x8b: {  	v5 =	vor.u32 s0, v0  }
0x8c: {  	[tilespmem:v4+s19+$0x0] =	vst.idx.msk $0xffff, v5  }
0x8d: {  	v6 =	vld [tilespmem:s28+$0xFFFFFF60];
	_ =	sdelay $0x5  }
0x8e: {  	s30 =	sadd.s32 $0x20, s26  }
0x8f: {  	v7 =	vor.u32 s30, v0  }
0x90: {  	[tilespmem:v6+s19+$0x0] =	vst.idx.msk $0xffff, v7  }
0x91: {  	v8 =	vld [tilespmem:s28+$0xFFFFFF70];
	_ =	sdelay $0x5  }
0x92: {  	s31 =	sadd.s32 $0x30, s26  }
0x93: {  	v9 =	vor.u32 s31, v0  }
0x94: {  	[tilespmem:v8+s19+$0x0] =	vst.idx.msk $0xffff, v9  }
0x95: {  	v10 =	vld [tilespmem:s28+$0xFFFFFF80];
	_ =	sdelay $0x5  }
0x96: {  	s30 =	sadd.s32 $0x40, s26  }
0x97: {  	v11 =	vor.u32 s30, v0  }
0x98: {  	[tilespmem:v10+s19+$0x0] =	vst.idx.msk $0xffff, v11  }
0x99: {  	v12 =	vld [tilespmem:s28+$0xFFFFFF90];
	_ =	sdelay $0x5  }
0x9a: {  	s31 =	sadd.s32 $0x50, s26  }
0x9b: {  	v13 =	vor.u32 s31, v0  }
0x9c: {  	[tilespmem:v12+s19+$0x0] =	vst.idx.msk $0xffff, v13  }
0x9d: {  	v14 =	vld [tilespmem:s28+$0xFFFFFFA0];
	_ =	sdelay $0x5  }
0x9e: {  	s30 =	sadd.s32 $0x60, s26  }
0x9f: {  	v15 =	vor.u32 s30, v0  }
0xa0: {  	[tilespmem:v14+s19+$0x0] =	vst.idx.msk $0xffff, v15  }
0xa1: {  	v16 =	vld [tilespmem:s28+$0xFFFFFFB0];
	_ =	sdelay $0x5  }
0xa2: {  	s31 =	sadd.s32 $0x70, s26;
	s30 =	sadd.s32 $0x80, s26  }
0xa3: {  	v17 =	vor.u32 s31, v0;
	s31 =	sand.u32 $0x70, s26;
	s0 =	sand.u32 $0x1F80, s30  }
0xa4: {  	s0 =	sor.u32 s31, s0;
	[tilespmem:v16+s19+$0x0] =	vst.idx.msk $0xffff, v17  }
0xa5: {  	v18 =	vld [tilespmem:s0+$0x0];
	_ =	sdelay $0x6  }
0xa6: {  	v19 =	vor.u32 s30, v0  }
0xa7: {  	[tilespmem:v18+s19+$0x0] =	vst.idx.msk $0xffff, v19  }
0xa8: {  	v20 =	vld [tilespmem:s28+$0xFFFFFFD0];
	_ =	sdelay $0x5  }
0xa9: {  	s31 =	sadd.s32 $0x90, s26  }
0xaa: {  	v21 =	vor.u32 s31, v0  }
0xab: {  	[tilespmem:v20+s19+$0x0] =	vst.idx.msk $0xffff, v21  }
0xac: {  	v22 =	vld [tilespmem:s28+$0xFFFFFFE0];
	_ =	sdelay $0x5  }
0xad: {  	s31 =	sadd.s32 $0xA0, s26  }
0xae: {  	v23 =	vor.u32 s31, v0  }
0xaf: {  	[tilespmem:v22+s19+$0x0] =	vst.idx.msk $0xffff, v23  }
0xb0: {  	v24 =	vld [tilespmem:s28+$0xFFFFFFF0];
	_ =	sdelay $0x5  }
0xb1: {  	s31 =	sadd.s32 $0xB0, s26  }
0xb2: {  	v25 =	vor.u32 s31, v0  }
0xb3: {  	[tilespmem:v24+s19+$0x0] =	vst.idx.msk $0xffff, v25  }
0xb4: {  	v26 =	vld [tilespmem:s28+$0x0];
	_ =	sdelay $0x5  }
0xb5: {  	s31 =	sadd.s32 $0xC0, s26  }
0xb6: {  	v27 =	vor.u32 s31, v0  }
0xb7: {  	[tilespmem:v26+s19+$0x0] =	vst.idx.msk $0xff, v27  }
0xb8: {  	v2 =	vld.idx.msk [tilespmem:v2+s19+$0x0], $0xffff  }
0xb9: {  	v28 =	vld [tilespmem:s29+$0xFFFFFF40]  }
0xba: {  	v4 =	vld.idx.msk [tilespmem:v4+s19+$0x0], $0xffff  }
0xbb: {  	v29 =	vld [tilespmem:s29+$0xFFFFFF50]  }
0xbc: {  	v6 =	vld.idx.msk [tilespmem:v6+s19+$0x0], $0xffff  }
0xbd: {  	v30 =	vld [tilespmem:s29+$0xFFFFFF60]  }
0xbe: {  	v8 =	vld.idx.msk [tilespmem:v8+s19+$0x0], $0xffff  }
0xbf: {  	v31 =	vld [tilespmem:s29+$0xFFFFFF70];
	v28 =	vadd.f32 $0.0e+00, v28  }
0xc0: {  	v45 =	vld [tilespmem:s29+$0xFFFFFF80];
	vm1 =	veq.s32 v2, v3;
	vm2 =	veq.s32 v4, v5  }
0xc1: {  	v2 =	vld.idx.msk [tilespmem:v10+s19+$0x0], $0xffff;
	v4 =	vnsel vm2, $0x0, v29;
	v3 =	vnsel vm1, $0x0, v28  }
0xc2: {  	v46 =	vld.idx.msk [tilespmem:v12+s19+$0x0], $0xffff;
	vm1 =	veq.s32 v6, v7;
	v3 =	vadd.f32 v4, v3  }
0xc3: {  	v47 =	vld [tilespmem:s29+$0xFFFFFF90];
	v6 =	vnsel vm1, $0x0, v30  }
0xc4: {  	v48 =	vld.idx.msk [tilespmem:v14+s19+$0x0], $0xffff;
	vm1 =	veq.s32 v8, v9;
	v3 =	vadd.f32 v6, v3  }
0xc5: {  	v49 =	vld [tilespmem:s29+$0xFFFFFFA0];
	v8 =	vnsel vm1, $0x0, v31  }
0xc6: {  	v50 =	vld [tilespmem:s29+$0xFFFFFFB0];
	vm1 =	veq.s32 v2, v11;
	v3 =	vadd.f32 v8, v3  }
0xc7: {  	v2 =	vld.idx.msk [tilespmem:v16+s19+$0x0], $0xffff;
	v5 =	vnsel vm1, $0x0, v45  }
0xc8: {  	v51 =	vld.idx.msk [tilespmem:v18+s19+$0x0], $0xffff;
	vm1 =	veq.s32 v46, v13;
	v3 =	vadd.f32 v5, v3  }
0xc9: {  	v53 =	vld [tilespmem:s0+$0x1A00];
	v52 =	vnsel vm1, $0x0, v47  }
0xca: {  	v54 =	vld.idx.msk [tilespmem:v20+s19+$0x0], $0xffff;
	vm1 =	veq.s32 v48, v15;
	v3 =	vadd.f32 v52, v3  }
0xcb: {  	v55 =	vld [tilespmem:s29+$0xFFFFFFD0];
	v6 =	vnsel vm1, $0x0, v49  }
0xcc: {  	v57 =	vld [tilespmem:s29+$0xFFFFFFE0];
	vm1 =	veq.s32 v2, v17;
	v3 =	vadd.f32 v6, v3  }
0xcd: {  	v2 =	vld.idx.msk [tilespmem:v22+s19+$0x0], $0xffff;
	v56 =	vnsel vm1, $0x0, v50  }
0xce: {  	v58 =	vld.idx.msk [tilespmem:v24+s19+$0x0], $0xffff;
	vm1 =	veq.s32 v51, v19;
	v3 =	vadd.f32 v56, v3  }
0xcf: {  	v60 =	vld [tilespmem:s29+$0xFFFFFFF0];
	v59 =	vnsel vm1, $0x0, v53  }
0xd0: {  	v61 =	vld.idx.msk [tilespmem:v26+s19+$0x0], $0xffff;
	vm1 =	veq.s32 v54, v21;
	v3 =	vadd.f32 v59, v3  }
0xd1: {  	v62 =	vnsel vm1, $0x0, v55  }
0xd2: {  	vm1 =	veq.s32 v2, v23;
	v2 =	vld [tilespmem:s29+$0x0];
	v3 =	vadd.f32 v62, v3  }
0xd3: {  	v63 =	vnsel vm1, $0x0, v57  }
0xd4: {  	vm1 =	veq.s32 v58, v25;
	v3 =	vadd.f32 v63, v3  }
0xd5: {  	v4 =	vnsel vm1, $0x0, v60;
	vm1 =	veq.s32 v61, v27  }
0xd6: {  	vm1 =	vmand vm1, vm0;
	v3 =	vadd.f32 v4, v3  }
0xd7: {  	v2 =	vnsel vm1, $0x0, v2  }
0xd8: {  	v2 =	vadd.f32 v2, v3;
	_ =	sdelay $0x1  }
0xd9: {  	(xrf2) =	vadd.scan.msk.f32 $0xffff, v2;
	_ =	sdelay $0x9  }
0xda: {  	p1 =	sne.s32 s26, $0xC30;
	v3 =	vmov s25;
	v2, _, _ =	vpop (xrf2)  }
.Ltmp1:
0xdb: {  	v2 =	vbroadcast v2, $0xF;
	(pc) =	sbr.rel @p1 .LBB2_4-.Ltmp1, $4  }
0xdc: {  	_ = 	snop  }
0xdd: {  	v2 =	vadd.f32 v2, v1  }
0xde: {  	s26 =	sadd.s32 $0xD0, s26  }
0xdf: {  	s28 =	sadd.s32 $0xD0, s28;
	s29 =	sadd.s32 $0xD0, s29;
	s25 =	sadd.s32 $0x1, s25;
	[tilespmem:v3+s20+$0x0] =	vst.idx.msk $0x1, v2  }
0xe0: {  	_ =	swait.ge [sflag:s22], $0x680  }
0xe1: {  	s25 =	simm.s32 $0x10;
	s26 =	simm.s32 $0xD00;
	[sflag:s22] =	ssyncset.done $0x0  }
0xe2: {  	s28 =	simm.s32 $0xDC0;
	s29 =	simm.s32 $0x27C0;
	[sflag:s22] =	ssyncadd.s32 $0xFFFFF980  }
.LBB2_6:
0xe3: {  	v2 =	vld [tilespmem:s28+$0xFFFFFF40];
	_ =	sdelay $0x6  }
0xe4: {  	v3 =	vor.u32 s26, v0  }
0xe5: {  	[tilespmem:v2+s19+$0x0] =	vst.idx.msk $0xffff, v3  }
0xe6: {  	v4 =	vld [tilespmem:s28+$0xFFFFFF50];
	_ =	sdelay $0x5  }
0xe7: {  	s0 =	sadd.s32 $0x10, s26  }
0xe8: {  	v5 =	vor.u32 s0, v0  }
0xe9: {  	[tilespmem:v4+s19+$0x0] =	vst.idx.msk $0xffff, v5  }
0xea: {  	v6 =	vld [tilespmem:s28+$0xFFFFFF60];
	_ =	sdelay $0x5  }
0xeb: {  	s30 =	sadd.s32 $0x20, s26  }
0xec: {  	v7 =	vor.u32 s30, v0  }
0xed: {  	[tilespmem:v6+s19+$0x0] =	vst.idx.msk $0xffff, v7  }
0xee: {  	v8 =	vld [tilespmem:s28+$0xFFFFFF70];
	_ =	sdelay $0x5  }
0xef: {  	s31 =	sadd.s32 $0x30, s26  }
0xf0: {  	v9 =	vor.u32 s31, v0  }
0xf1: {  	[tilespmem:v8+s19+$0x0] =	vst.idx.msk $0xffff, v9  }
0xf2: {  	v10 =	vld [tilespmem:s28+$0xFFFFFF80];
	_ =	sdelay $0x5  }
0xf3: {  	s30 =	sadd.s32 $0x40, s26  }
0xf4: {  	v11 =	vor.u32 s30, v0  }
0xf5: {  	[tilespmem:v10+s19+$0x0] =	vst.idx.msk $0xffff, v11  }
0xf6: {  	v12 =	vld [tilespmem:s28+$0xFFFFFF90];
	_ =	sdelay $0x5  }
0xf7: {  	s31 =	sadd.s32 $0x50, s26  }
0xf8: {  	v13 =	vor.u32 s31, v0  }
0xf9: {  	[tilespmem:v12+s19+$0x0] =	vst.idx.msk $0xffff, v13  }
0xfa: {  	v14 =	vld [tilespmem:s28+$0xFFFFFFA0];
	_ =	sdelay $0x5  }
0xfb: {  	s30 =	sadd.s32 $0x60, s26  }
0xfc: {  	v15 =	vor.u32 s30, v0  }
0xfd: {  	[tilespmem:v14+s19+$0x0] =	vst.idx.msk $0xffff, v15  }
0xfe: {  	v16 =	vld [tilespmem:s28+$0xFFFFFFB0];
	_ =	sdelay $0x5  }
0xff: {  	s31 =	sadd.s32 $0x70, s26;
	s30 =	sadd.s32 $0x80, s26  }
0x100: {  	v17 =	vor.u32 s31, v0;
	s31 =	sand.u32 $0x70, s26;
	s0 =	sand.u32 $0x3F80, s30  }
0x101: {  	s0 =	sor.u32 s31, s0;
	[tilespmem:v16+s19+$0x0] =	vst.idx.msk $0xffff, v17  }
0x102: {  	v18 =	vld [tilespmem:s0+$0x0];
	_ =	sdelay $0x6  }
0x103: {  	v19 =	vor.u32 s30, v0  }
0x104: {  	[tilespmem:v18+s19+$0x0] =	vst.idx.msk $0xffff, v19  }
0x105: {  	v20 =	vld [tilespmem:s28+$0xFFFFFFD0];
	_ =	sdelay $0x5  }
0x106: {  	s31 =	sadd.s32 $0x90, s26  }
0x107: {  	v21 =	vor.u32 s31, v0  }
0x108: {  	[tilespmem:v20+s19+$0x0] =	vst.idx.msk $0xffff, v21  }
0x109: {  	v22 =	vld [tilespmem:s28+$0xFFFFFFE0];
	_ =	sdelay $0x5  }
0x10a: {  	s31 =	sadd.s32 $0xA0, s26  }
0x10b: {  	v23 =	vor.u32 s31, v0  }
0x10c: {  	[tilespmem:v22+s19+$0x0] =	vst.idx.msk $0xffff, v23  }
0x10d: {  	v24 =	vld [tilespmem:s28+$0xFFFFFFF0];
	_ =	sdelay $0x5  }
0x10e: {  	s31 =	sadd.s32 $0xB0, s26  }
0x10f: {  	v25 =	vor.u32 s31, v0  }
0x110: {  	[tilespmem:v24+s19+$0x0] =	vst.idx.msk $0xffff, v25  }
0x111: {  	v26 =	vld [tilespmem:s28+$0x0];
	_ =	sdelay $0x5  }
0x112: {  	s31 =	sadd.s32 $0xC0, s26  }
0x113: {  	v27 =	vor.u32 s31, v0  }
0x114: {  	[tilespmem:v26+s19+$0x0] =	vst.idx.msk $0xff, v27  }
0x115: {  	v2 =	vld.idx.msk [tilespmem:v2+s19+$0x0], $0xffff  }
0x116: {  	v28 =	vld [tilespmem:s29+$0xFFFFFF40]  }
0x117: {  	v4 =	vld.idx.msk [tilespmem:v4+s19+$0x0], $0xffff  }
0x118: {  	v29 =	vld [tilespmem:s29+$0xFFFFFF50]  }
0x119: {  	v6 =	vld.idx.msk [tilespmem:v6+s19+$0x0], $0xffff  }
0x11a: {  	v30 =	vld [tilespmem:s29+$0xFFFFFF60]  }
0x11b: {  	v8 =	vld.idx.msk [tilespmem:v8+s19+$0x0], $0xffff  }
0x11c: {  	v31 =	vld [tilespmem:s29+$0xFFFFFF70];
	v28 =	vadd.f32 $0.0e+00, v28  }
0x11d: {  	v45 =	vld [tilespmem:s29+$0xFFFFFF80];
	vm1 =	veq.s32 v2, v3;
	vm2 =	veq.s32 v4, v5  }
0x11e: {  	v2 =	vld.idx.msk [tilespmem:v10+s19+$0x0], $0xffff;
	v4 =	vnsel vm2, $0x0, v29;
	v3 =	vnsel vm1, $0x0, v28  }
0x11f: {  	v46 =	vld.idx.msk [tilespmem:v12+s19+$0x0], $0xffff;
	vm1 =	veq.s32 v6, v7;
	v3 =	vadd.f32 v4, v3  }
0x120: {  	v47 =	vld [tilespmem:s29+$0xFFFFFF90];
	v6 =	vnsel vm1, $0x0, v30  }
0x121: {  	v48 =	vld.idx.msk [tilespmem:v14+s19+$0x0], $0xffff;
	vm1 =	veq.s32 v8, v9;
	v3 =	vadd.f32 v6, v3  }
0x122: {  	v49 =	vld [tilespmem:s29+$0xFFFFFFA0];
	v8 =	vnsel vm1, $0x0, v31  }
0x123: {  	v50 =	vld [tilespmem:s29+$0xFFFFFFB0];
	vm1 =	veq.s32 v2, v11;
	v3 =	vadd.f32 v8, v3  }
0x124: {  	v2 =	vld.idx.msk [tilespmem:v16+s19+$0x0], $0xffff;
	v5 =	vnsel vm1, $0x0, v45  }
0x125: {  	v51 =	vld.idx.msk [tilespmem:v18+s19+$0x0], $0xffff;
	vm1 =	veq.s32 v46, v13;
	v3 =	vadd.f32 v5, v3  }
0x126: {  	v53 =	vld [tilespmem:s0+$0x1A00];
	v52 =	vnsel vm1, $0x0, v47  }
0x127: {  	v54 =	vld.idx.msk [tilespmem:v20+s19+$0x0], $0xffff;
	vm1 =	veq.s32 v48, v15;
	v3 =	vadd.f32 v52, v3  }
0x128: {  	v55 =	vld [tilespmem:s29+$0xFFFFFFD0];
	v6 =	vnsel vm1, $0x0, v49  }
0x129: {  	v57 =	vld [tilespmem:s29+$0xFFFFFFE0];
	vm1 =	veq.s32 v2, v17;
	v3 =	vadd.f32 v6, v3  }
0x12a: {  	v2 =	vld.idx.msk [tilespmem:v22+s19+$0x0], $0xffff;
	v56 =	vnsel vm1, $0x0, v50  }
0x12b: {  	v58 =	vld.idx.msk [tilespmem:v24+s19+$0x0], $0xffff;
	vm1 =	veq.s32 v51, v19;
	v3 =	vadd.f32 v56, v3  }
0x12c: {  	v60 =	vld [tilespmem:s29+$0xFFFFFFF0];
	v59 =	vnsel vm1, $0x0, v53  }
0x12d: {  	v61 =	vld.idx.msk [tilespmem:v26+s19+$0x0], $0xffff;
	vm1 =	veq.s32 v54, v21;
	v3 =	vadd.f32 v59, v3  }
0x12e: {  	v62 =	vnsel vm1, $0x0, v55  }
0x12f: {  	vm1 =	veq.s32 v2, v23;
	v2 =	vld [tilespmem:s29+$0x0];
	v3 =	vadd.f32 v62, v3  }
0x130: {  	v63 =	vnsel vm1, $0x0, v57  }
0x131: {  	vm1 =	veq.s32 v58, v25;
	v3 =	vadd.f32 v63, v3  }
0x132: {  	v4 =	vnsel vm1, $0x0, v60;
	vm1 =	veq.s32 v61, v27  }
0x133: {  	vm1 =	vmand vm1, vm0;
	v3 =	vadd.f32 v4, v3  }
0x134: {  	v2 =	vnsel vm1, $0x0, v2  }
0x135: {  	v2 =	vadd.f32 v2, v3;
	_ =	sdelay $0x1  }
0x136: {  	(xrf2) =	vadd.scan.msk.f32 $0xffff, v2;
	_ =	sdelay $0x9  }
0x137: {  	p1 =	sne.s32 s26, $0x12B0;
	v3 =	vmov s25;
	v2, _, _ =	vpop (xrf2)  }
.Ltmp2:
0x138: {  	v2 =	vbroadcast v2, $0xF;
	(pc) =	sbr.rel @p1 .LBB2_6-.Ltmp2, $4  }
0x139: {  	_ = 	snop  }
0x13a: {  	v2 =	vadd.f32 v2, v1  }
0x13b: {  	s26 =	sadd.s32 $0xD0, s26  }
0x13c: {  	s28 =	sadd.s32 $0xD0, s28;
	s29 =	sadd.s32 $0xD0, s29;
	s25 =	sadd.s32 $0x1, s25;
	[tilespmem:v3+s20+$0x0] =	vst.idx.msk $0x1, v2  }
0x13d: {  	_ =	swait.ge [sflag:s23], $0x680  }
0x13e: {  	s25 =	simm.s32 $0x18;
	s26 =	simm.s32 $0x1380;
	[sflag:s23] =	ssyncset.done $0x0  }
0x13f: {  	s28 =	simm.s32 $0x1440;
	s29 =	simm.s32 $0x2E40;
	[sflag:s23] =	ssyncadd.s32 $0xFFFFF980  }
.LBB2_8:
0x140: {  	v2 =	vld [tilespmem:s28+$0xFFFFFF40];
	_ =	sdelay $0x6  }
0x141: {  	v3 =	vor.u32 s26, v0  }
0x142: {  	[tilespmem:v2+s19+$0x0] =	vst.idx.msk $0xffff, v3  }
0x143: {  	v4 =	vld [tilespmem:s28+$0xFFFFFF50];
	_ =	sdelay $0x5  }
0x144: {  	s0 =	sadd.s32 $0x10, s26  }
0x145: {  	v5 =	vor.u32 s0, v0  }
0x146: {  	[tilespmem:v4+s19+$0x0] =	vst.idx.msk $0xffff, v5  }
0x147: {  	v6 =	vld [tilespmem:s28+$0xFFFFFF60];
	_ =	sdelay $0x5  }
0x148: {  	s30 =	sadd.s32 $0x20, s26  }
0x149: {  	v7 =	vor.u32 s30, v0  }
0x14a: {  	[tilespmem:v6+s19+$0x0] =	vst.idx.msk $0xffff, v7  }
0x14b: {  	v8 =	vld [tilespmem:s28+$0xFFFFFF70];
	_ =	sdelay $0x5  }
0x14c: {  	s31 =	sadd.s32 $0x30, s26  }
0x14d: {  	v9 =	vor.u32 s31, v0  }
0x14e: {  	[tilespmem:v8+s19+$0x0] =	vst.idx.msk $0xffff, v9  }
0x14f: {  	v10 =	vld [tilespmem:s28+$0xFFFFFF80];
	_ =	sdelay $0x5  }
0x150: {  	s30 =	sadd.s32 $0x40, s26  }
0x151: {  	v11 =	vor.u32 s30, v0  }
0x152: {  	[tilespmem:v10+s19+$0x0] =	vst.idx.msk $0xffff, v11  }
0x153: {  	v12 =	vld [tilespmem:s28+$0xFFFFFF90];
	_ =	sdelay $0x5  }
0x154: {  	s31 =	sadd.s32 $0x50, s26  }
0x155: {  	v13 =	vor.u32 s31, v0  }
0x156: {  	[tilespmem:v12+s19+$0x0] =	vst.idx.msk $0xffff, v13  }
0x157: {  	v14 =	vld [tilespmem:s28+$0xFFFFFFA0];
	_ =	sdelay $0x5  }
0x158: {  	s30 =	sadd.s32 $0x60, s26  }
0x159: {  	v15 =	vor.u32 s30, v0  }
0x15a: {  	[tilespmem:v14+s19+$0x0] =	vst.idx.msk $0xffff, v15  }
0x15b: {  	v16 =	vld [tilespmem:s28+$0xFFFFFFB0];
	_ =	sdelay $0x5  }
0x15c: {  	s31 =	sadd.s32 $0x70, s26;
	s30 =	sadd.s32 $0x80, s26  }
0x15d: {  	v17 =	vor.u32 s31, v0;
	s31 =	sand.u32 $0x70, s26;
	s0 =	sand.u32 $0x3F80, s30  }
0x15e: {  	s0 =	sor.u32 s31, s0;
	[tilespmem:v16+s19+$0x0] =	vst.idx.msk $0xffff, v17  }
0x15f: {  	v18 =	vld [tilespmem:s0+$0x0];
	_ =	sdelay $0x6  }
0x160: {  	v19 =	vor.u32 s30, v0  }
0x161: {  	[tilespmem:v18+s19+$0x0] =	vst.idx.msk $0xffff, v19  }
0x162: {  	v20 =	vld [tilespmem:s28+$0xFFFFFFD0];
	_ =	sdelay $0x5  }
0x163: {  	s31 =	sadd.s32 $0x90, s26  }
0x164: {  	v21 =	vor.u32 s31, v0  }
0x165: {  	[tilespmem:v20+s19+$0x0] =	vst.idx.msk $0xffff, v21  }
0x166: {  	v22 =	vld [tilespmem:s28+$0xFFFFFFE0];
	_ =	sdelay $0x5  }
0x167: {  	s31 =	sadd.s32 $0xA0, s26  }
0x168: {  	v23 =	vor.u32 s31, v0  }
0x169: {  	[tilespmem:v22+s19+$0x0] =	vst.idx.msk $0xffff, v23  }
0x16a: {  	v24 =	vld [tilespmem:s28+$0xFFFFFFF0];
	_ =	sdelay $0x5  }
0x16b: {  	s31 =	sadd.s32 $0xB0, s26  }
0x16c: {  	v25 =	vor.u32 s31, v0  }
0x16d: {  	[tilespmem:v24+s19+$0x0] =	vst.idx.msk $0xffff, v25  }
0x16e: {  	v26 =	vld [tilespmem:s28+$0x0];
	_ =	sdelay $0x5  }
0x16f: {  	s31 =	sadd.s32 $0xC0, s26  }
0x170: {  	v27 =	vor.u32 s31, v0  }
0x171: {  	[tilespmem:v26+s19+$0x0] =	vst.idx.msk $0xff, v27  }
0x172: {  	v2 =	vld.idx.msk [tilespmem:v2+s19+$0x0], $0xffff  }
0x173: {  	v28 =	vld [tilespmem:s29+$0xFFFFFF40]  }
0x174: {  	v4 =	vld.idx.msk [tilespmem:v4+s19+$0x0], $0xffff  }
0x175: {  	v29 =	vld [tilespmem:s29+$0xFFFFFF50]  }
0x176: {  	v6 =	vld.idx.msk [tilespmem:v6+s19+$0x0], $0xffff  }
0x177: {  	v30 =	vld [tilespmem:s29+$0xFFFFFF60]  }
0x178: {  	v8 =	vld.idx.msk [tilespmem:v8+s19+$0x0], $0xffff  }
0x179: {  	v31 =	vld [tilespmem:s29+$0xFFFFFF70];
	v28 =	vadd.f32 $0.0e+00, v28  }
0x17a: {  	v45 =	vld [tilespmem:s29+$0xFFFFFF80];
	vm1 =	veq.s32 v2, v3;
	vm2 =	veq.s32 v4, v5  }
0x17b: {  	v2 =	vld.idx.msk [tilespmem:v10+s19+$0x0], $0xffff;
	v4 =	vnsel vm2, $0x0, v29;
	v3 =	vnsel vm1, $0x0, v28  }
0x17c: {  	v46 =	vld.idx.msk [tilespmem:v12+s19+$0x0], $0xffff;
	vm1 =	veq.s32 v6, v7;
	v3 =	vadd.f32 v4, v3  }
0x17d: {  	v47 =	vld [tilespmem:s29+$0xFFFFFF90];
	v6 =	vnsel vm1, $0x0, v30  }
0x17e: {  	v48 =	vld.idx.msk [tilespmem:v14+s19+$0x0], $0xffff;
	vm1 =	veq.s32 v8, v9;
	v3 =	vadd.f32 v6, v3  }
0x17f: {  	v49 =	vld [tilespmem:s29+$0xFFFFFFA0];
	v8 =	vnsel vm1, $0x0, v31  }
0x180: {  	v50 =	vld [tilespmem:s29+$0xFFFFFFB0];
	vm1 =	veq.s32 v2, v11;
	v3 =	vadd.f32 v8, v3  }
0x181: {  	v2 =	vld.idx.msk [tilespmem:v16+s19+$0x0], $0xffff;
	v5 =	vnsel vm1, $0x0, v45  }
0x182: {  	v51 =	vld.idx.msk [tilespmem:v18+s19+$0x0], $0xffff;
	vm1 =	veq.s32 v46, v13;
	v3 =	vadd.f32 v5, v3  }
0x183: {  	v53 =	vld [tilespmem:s0+$0x1A00];
	v52 =	vnsel vm1, $0x0, v47  }
0x184: {  	v54 =	vld.idx.msk [tilespmem:v20+s19+$0x0], $0xffff;
	vm1 =	veq.s32 v48, v15;
	v3 =	vadd.f32 v52, v3  }
0x185: {  	v55 =	vld [tilespmem:s29+$0xFFFFFFD0];
	v6 =	vnsel vm1, $0x0, v49  }
0x186: {  	v57 =	vld [tilespmem:s29+$0xFFFFFFE0];
	vm1 =	veq.s32 v2, v17;
	v3 =	vadd.f32 v6, v3  }
0x187: {  	v2 =	vld.idx.msk [tilespmem:v22+s19+$0x0], $0xffff;
	v56 =	vnsel vm1, $0x0, v50  }
0x188: {  	v58 =	vld.idx.msk [tilespmem:v24+s19+$0x0], $0xffff;
	vm1 =	veq.s32 v51, v19;
	v3 =	vadd.f32 v56, v3  }
0x189: {  	v60 =	vld [tilespmem:s29+$0xFFFFFFF0];
	v59 =	vnsel vm1, $0x0, v53  }
0x18a: {  	v61 =	vld.idx.msk [tilespmem:v26+s19+$0x0], $0xffff;
	vm1 =	veq.s32 v54, v21;
	v3 =	vadd.f32 v59, v3  }
0x18b: {  	v62 =	vnsel vm1, $0x0, v55  }
0x18c: {  	vm1 =	veq.s32 v2, v23;
	v2 =	vld [tilespmem:s29+$0x0];
	v3 =	vadd.f32 v62, v3  }
0x18d: {  	v63 =	vnsel vm1, $0x0, v57  }
0x18e: {  	vm1 =	veq.s32 v58, v25;
	v3 =	vadd.f32 v63, v3  }
0x18f: {  	v4 =	vnsel vm1, $0x0, v60;
	vm1 =	veq.s32 v61, v27  }
0x190: {  	vm1 =	vmand vm1, vm0;
	v3 =	vadd.f32 v4, v3  }
0x191: {  	v2 =	vnsel vm1, $0x0, v2  }
0x192: {  	v2 =	vadd.f32 v2, v3;
	_ =	sdelay $0x1  }
0x193: {  	(xrf2) =	vadd.scan.msk.f32 $0xffff, v2;
	_ =	sdelay $0x9  }
0x194: {  	p1 =	sne.s32 s26, $0x1930;
	v3 =	vmov s25;
	v2, _, _ =	vpop (xrf2)  }
.Ltmp3:
0x195: {  	v2 =	vbroadcast v2, $0xF;
	(pc) =	sbr.rel @p1 .LBB2_8-.Ltmp3, $4  }
0x196: {  	_ = 	snop  }
0x197: {  	v2 =	vadd.f32 v2, v1  }
0x198: {  	s26 =	sadd.s32 $0xD0, s26  }
0x199: {  	s28 =	sadd.s32 $0xD0, s28;
	s29 =	sadd.s32 $0xD0, s29;
	s25 =	sadd.s32 $0x1, s25;
	[tilespmem:v3+s20+$0x0] =	vst.idx.msk $0x1, v2  }
0x19a: {  	s24 =	sadd.s32 $0x1, s24  }
0x19b: {  	p1 =	sne.s32 s24, s7  }
.Ltmp4:
0x19c: {  	_ = 	snop;
	(pc) =	sbr.rel @p1 .LBB2_1-.Ltmp4, $4  }
0x19d: {  	[hbm4b:s6+s2] =	stream.linear.scatter [tilespmem:s20], [sflag:$0x5], $0x20, $0x38;
	[tilespmem:$0x1D470] =	vst v63  }
0x19e: {  	_ =	swait.ge [sflag:s9], $0x20  }
0x19f: {  	[sflag:s9] =	ssyncset.done $0x0  }
0x1a0: {  	[sflag:s9] =	ssyncadd.s32 $0xFFFFFFE0  }
0x1a1: {  	_ =	sfence.sel $0x180000  }
0x1a2: {  	[bflag:$0x0] =	sbarrier.arrive $0xFFFF  }
0x1a3: {  	_ =	strace $0x90000047  }
0x1a4: {  	[bflag:$0x2] =	sbarrier.arrive $0xFFFF  }
0x1a5: {  	s0 =	rddreg [dreg:$0x3]  }
0x1a6: {  	s0 =	sadd.s32 @!p0 $0x100000, s0  }
0x1a7: {  	[sflag:s0] =	ssyncadd.tile.s32 @!p0 $0x1;
	_ =	shalt  }
.Lfunc_end2:
_tile_overlayer_lowered:
.L_overlay_start_2:
0x1a8: {  	(tag) =	ssettag $0x2  }
0x1a9: {  	s0 =	rddreg [dreg:$0x0];
	s2 =	stileid.u32  }
0x1aa: {  	s1 =	rddreg [dreg:$0x1];
	p0 =	sne.s32 s2, $0x0  }
0x1ab: {  	s3 =	rddreg [dreg:$0x2];
	[bflag:$0x3] =	sbarrier.arrive $0xFFFF;
	s2 =	simm.s32 @!p0 $0x1C05  }
0x1ac: {  	[timem:s3], [sflag:s2] =	dma.local @!p0 [hbm:s0], s1  }
0x1ad: {  	s0 =	simm.s32 @!p0 $0x5  }
0x1ae: {  	_ =	swait.ge @!p0 [sflag:s0], s1  }
0x1af: {  	s1 =	ssub.s32 @!p0 $0x0, s1;
	[sflag:s0] =	ssyncset.done @!p0 $0x0  }
0x1b0: {  	[sflag:s0] =	ssyncadd.s32 @!p0 s1  }
0x1b1: {  	[bflag:$0x3] =	sbarrier.arrive $0xFFFF  }
0x1b2: {  	_ =	shalt  }

</sc_bundles>
